<compile_context>
chip_gen: v7x
topology: tpu7x:2x2x1
jax: 0.10.2.dev20260603
libtpu: 0.0.44.dev20260713+nightly
codegen_flags: <defaults>
</compile_context>

<pallas_src>
import functools

import jax
import jax.numpy as jnp
from jax import lax
from jax.experimental import pallas as pl
from jax.experimental.pallas import tpu as pltpu
from jax.experimental.pallas import tpu_sc as plsc

N = 10000
E = 320000
HF = 128
HA = 144
NH = 4
NC, NS = 2, 16
NW = NC * NS
EPT = E // NW
CHUNK = 80
NCH = EPT // CHUNK
NCHP = 128

_mesh = plsc.VectorSubcoreMesh(
    core_axis_name="c", subcore_axis_name="s", num_cores=NC, num_subcores=NS)

ROWS_BLK = 1000


def _tc_front(x_ref, wt_ref, ai_ref, aj_ref, h_ref, sa_ref, ma_ref, mb_ref):
    i = pl.program_id(0)
    h = jnp.dot(x_ref[...], wt_ref[...], preferred_element_type=jnp.float32)
    sa = jnp.dot(h, ai_ref[...], preferred_element_type=jnp.float32)
    sb = jnp.dot(h, aj_ref[...], preferred_element_type=jnp.float32)
    h_ref[...] = jnp.concatenate([h, sb], axis=1)
    sa_ref[...] = sa

    @pl.when(i == 0)
    def _():
        ma_ref[...] = jnp.full((8, 16), -jnp.inf, jnp.float32)
        mb_ref[...] = jnp.full((8, 16), -jnp.inf, jnp.float32)

    ma_ref[...] = jnp.maximum(ma_ref[...], jnp.max(sa, axis=0)[None, :])
    mb_ref[...] = jnp.maximum(mb_ref[...], jnp.max(sb, axis=0)[None, :])


def _run_tc_front(x, wt, amat_i, amat_j):
    return pl.pallas_call(
        _tc_front,
        grid=(N // ROWS_BLK,),
        in_specs=[
            pl.BlockSpec((ROWS_BLK, 128), lambda i: (i, 0)),
            pl.BlockSpec((128, 128), lambda i: (0, 0)),
            pl.BlockSpec((128, 16), lambda i: (0, 0)),
            pl.BlockSpec((128, 16), lambda i: (0, 0)),
        ],
        out_specs=[
            pl.BlockSpec((ROWS_BLK, HA), lambda i: (i, 0)),
            pl.BlockSpec((ROWS_BLK, 16), lambda i: (i, 0)),
            pl.BlockSpec((8, 16), lambda i: (0, 0)),
            pl.BlockSpec((8, 16), lambda i: (0, 0)),
        ],
        out_shape=[
            jax.ShapeDtypeStruct((N, HA), jnp.float32),
            jax.ShapeDtypeStruct((N, 16), jnp.float32),
            jax.ShapeDtypeStruct((8, 16), jnp.float32),
            jax.ShapeDtypeStruct((8, 16), jnp.float32),
        ],
    )(x, wt, amat_i, amat_j)


@functools.partial(
    pl.kernel,
    out_type=jax.ShapeDtypeStruct((NC * N, HA), jnp.float32),
    mesh=_mesh,
    compiler_params=pltpu.CompilerParams(
        needs_layout_passes=False, use_tc_tiling_on_sc=False),
    scratch_types=[
        pltpu.VMEM((4, CHUNK), jnp.int32),
        pltpu.VMEM((4, CHUNK), jnp.int32),
        pltpu.VMEM((2, CHUNK, 16), jnp.float32),
        pltpu.VMEM((2, CHUNK, HA), jnp.float32),
        pltpu.VMEM((16,), jnp.float32),
        pltpu.VMEM((16,), jnp.float32),
        pltpu.VMEM_SHARED((N, HA), jnp.float32),
        pltpu.SemaphoreType.DMA((2,)),
        pltpu.SemaphoreType.DMA((2,)),
        pltpu.SemaphoreType.DMA((2,)),
    ],
)
def _sc_main(h_hbm, sa_hbm, src_hbm, dst_hbm, ma_hbm, mb_hbm, z_hbm,
             acc_hbm,
             src_v, dst_v, sd_v, rows_v, ma_v, mb_v, acc_sh,
             gsem, ssem, isem):
    cid = lax.axis_index("c")
    tid = lax.axis_index("s")
    wid = cid * NS + tid
    row0 = wid * NCHP

    pltpu.sync_copy(ma_hbm.at[pl.ds(0, 16)], ma_v)
    pltpu.sync_copy(mb_hbm.at[pl.ds(0, 16)], mb_v)

    @pl.when(tid < NS - 1)
    def _():
        pltpu.sync_copy(z_hbm.at[pl.ds(tid * 632, 632)],
                        acc_sh.at[pl.ds(tid * 632, 632)])

    @pl.when(tid == NS - 1)
    def _():
        pltpu.sync_copy(z_hbm.at[pl.ds(9480, 520)],
                        acc_sh.at[pl.ds(9480, 520)])

    plsc.subcore_barrier()

    m0 = ma_v[...] + mb_v[...]
    m4 = jnp.maximum(m0, 0.01 * m0)
    dmask = jnp.where(lax.iota(jnp.int32, 16) < NH, 1.0, 0.0
                      ).astype(jnp.float32)

    pltpu.sync_copy(src_hbm.at[row0], src_v.at[0])
    pltpu.sync_copy(dst_hbm.at[row0], dst_v.at[0])
    pltpu.sync_copy(src_hbm.at[row0 + 1], src_v.at[1])
    pltpu.sync_copy(dst_hbm.at[row0 + 1], dst_v.at[1])
    pltpu.async_copy(h_hbm.at[src_v.at[0]], rows_v.at[0], gsem.at[0])
    pltpu.async_copy(sa_hbm.at[dst_v.at[0]], sd_v.at[0], gsem.at[0])

    def chunk_body(c, carry):
        b = lax.rem(c, 2)
        b1 = lax.rem(c + 1, 2)
        sl = lax.rem(c, 4)
        sl1 = lax.rem(c + 1, 4)
        sl2 = lax.rem(c + 2, 4)

        pltpu.make_async_copy(
            h_hbm.at[src_v.at[sl]], rows_v.at[b], gsem.at[b]).wait()
        pltpu.make_async_copy(
            sa_hbm.at[dst_v.at[sl]], sd_v.at[b], gsem.at[b]).wait()

        @pl.when(jnp.logical_and(c >= 1, c + 1 < NCH))
        def _():
            pltpu.make_async_copy(
                src_hbm.at[row0 + c + 1], src_v.at[sl1], isem.at[b1]).wait()
            pltpu.make_async_copy(
                dst_hbm.at[row0 + c + 1], dst_v.at[sl1], isem.at[b1]).wait()

        @pl.when(c >= 1)
        def _():
            pltpu.make_async_copy(
                rows_v.at[b1], acc_sh.at[dst_v.at[sl1]], ssem.at[b1]).wait()

        @pl.when(c + 1 < NCH)
        def _():
            pltpu.async_copy(
                h_hbm.at[src_v.at[sl1]], rows_v.at[b1], gsem.at[b1])
            pltpu.async_copy(
                sa_hbm.at[dst_v.at[sl1]], sd_v.at[b1], gsem.at[b1])

        @pl.when(c + 2 < NCH)
        def _():
            pltpu.async_copy(
                src_hbm.at[row0 + c + 2], src_v.at[sl2], isem.at[b])
            pltpu.async_copy(
                dst_hbm.at[row0 + c + 2], dst_v.at[sl2], isem.at[b])

        def quad_body(q, qcarry):
            for k in range(4):
                e = q * 4 + k
                z = sd_v[b, e, pl.ds(0, 16)] + rows_v[b, e, pl.ds(HF, 16)]
                l = jnp.maximum(z, 0.01 * z)
                p16 = jnp.exp(l - m4)
                for hd in range(NH):
                    cv = jnp.full((16,), p16[hd], jnp.float32)
                    lo = rows_v[b, e, pl.ds(hd * 32, 16)] * cv
                    rows_v[b, e, pl.ds(hd * 32, 16)] = lo
                    hi = rows_v[b, e, pl.ds(hd * 32 + 16, 16)] * cv
                    rows_v[b, e, pl.ds(hd * 32 + 16, 16)] = hi
                rows_v[b, e, pl.ds(HF, 16)] = p16 * dmask
            return qcarry

        lax.fori_loop(0, CHUNK // 4, quad_body, 0)

        pltpu.async_copy(
            rows_v.at[b], acc_sh.at[dst_v.at[sl]], ssem.at[b], add=True)
        return carry

    lax.fori_loop(0, NCH, chunk_body, 0)
    pltpu.make_async_copy(
        rows_v.at[(NCH - 1) % 2],
        acc_sh.at[dst_v.at[(NCH - 1) % 4]],
        ssem.at[(NCH - 1) % 2]).wait()

    plsc.subcore_barrier()

    @pl.when(tid < NS - 1)
    def _():
        pltpu.sync_copy(acc_sh.at[pl.ds(tid * 632, 632)],
                        acc_hbm.at[pl.ds(cid * N + tid * 632, 632)])

    @pl.when(tid == NS - 1)
    def _():
        pltpu.sync_copy(acc_sh.at[pl.ds(9480, 520)],
                        acc_hbm.at[pl.ds(cid * N + 9480, 520)])


def _tc_combine(a0_ref, a1_ref, b_ref, o_ref):
    a = a0_ref[...] + a1_ref[...]
    d = a[:, HF:HF + NH]
    r = 1.0 / (d + 1e-16)
    o_ref[...] = a[:, :HF] * jnp.dot(
        r, b_ref[...], preferred_element_type=jnp.float32)


def _run_tc_combine(acc, bmat):
    nb = N // ROWS_BLK
    return pl.pallas_call(
        _tc_combine,
        grid=(nb,),
        in_specs=[
            pl.BlockSpec((ROWS_BLK, HA), lambda i: (i, 0)),
            pl.BlockSpec((ROWS_BLK, HA), lambda i: (nb + i, 0)),
            pl.BlockSpec((NH, HF), lambda i: (0, 0)),
        ],
        out_specs=pl.BlockSpec((ROWS_BLK, HF), lambda i: (i, 0)),
        out_shape=jax.ShapeDtypeStruct((N, HF), jnp.float32),
    )(acc, acc, bmat)


def kernel(x, edge_index, counts, out_edge_idx, layer_i, W, att_i, att_j):
    ei = edge_index.astype(jnp.int32).reshape(2, NW, NCH, CHUNK)
    ei = jnp.pad(ei, ((0, 0), (0, 0), (0, NCHP - NCH), (0, 0)))
    src = ei[0].reshape(NW * NCHP, CHUNK)
    dst = ei[1].reshape(NW * NCHP, CHUNK)
    wt = W.T.astype(jnp.float32)
    bmat = jnp.repeat(jnp.eye(NH, dtype=jnp.float32), HF // NH, axis=1)
    pad12 = jnp.zeros((HF, 12), jnp.float32)
    amat_i = jnp.concatenate([bmat.T * att_i.reshape(-1)[:, None], pad12], 1)
    amat_j = jnp.concatenate([bmat.T * att_j.reshape(-1)[:, None], pad12], 1)
    h, sa, ma, mb = _run_tc_front(x, wt, amat_i, amat_j)
    z = jnp.zeros((N, HA), jnp.float32)
    acc = _sc_main(h, sa, src, dst, ma.reshape(-1), mb.reshape(-1), z)
    return _run_tc_combine(acc, bmat)

# --- scband reference (transcript-rebuilt; emitter-appended) ---
"""Pipeline reference for scband-my-gatlayer-2568390443567 (READ-ONLY COPY).

The authoritative reference and input builder live on the scoring server;
editing this copy changes nothing except your own understanding.
"""

import jax, jax.numpy as jnp
import numpy as np
import math

N_NODES = 10000
N_EDGES = 320000
IN_FEATS = 128
OUT_FEATS = 32
NUM_HEADS = 4


def setup_inputs(seed: int = 0) -> dict:
    key = jax.random.key(seed)
    k1, k2, k3, k4, k5 = jax.random.split(key, 5)
    x = jax.random.normal(k1, (N_NODES, IN_FEATS), dtype=jnp.float32)
    edge_index = jax.random.randint(k2, (2, N_EDGES), 0, N_NODES, dtype=jnp.int64)
    counts = jax.random.randint(jax.random.fold_in(key, 7), (N_NODES,), 0, 64, dtype=jnp.int64)
    out_edge_idx = jax.random.randint(jax.random.fold_in(key, 8), (N_EDGES,), 0, N_EDGES, dtype=jnp.int64)
    layer_i = 0
    # glorot-initialized learned params
    stdv_w = math.sqrt(6.0 / (IN_FEATS + NUM_HEADS * OUT_FEATS))
    W = jax.random.uniform(k3, (NUM_HEADS * OUT_FEATS, IN_FEATS), minval=-stdv_w, maxval=stdv_w, dtype=jnp.float32)
    stdv_a = math.sqrt(6.0 / (NUM_HEADS + OUT_FEATS))
    att_i = jax.random.uniform(k4, (1, NUM_HEADS, OUT_FEATS), minval=-stdv_a, maxval=stdv_a, dtype=jnp.float32)
    att_j = jax.random.uniform(k5, (1, NUM_HEADS, OUT_FEATS), minval=-stdv_a, maxval=stdv_a, dtype=jnp.float32)
    return {"x": x, "edge_index": edge_index, "counts": counts, "out_edge_idx": out_edge_idx, "layer_i": layer_i, "W": W, "att_i": att_i, "att_j": att_j}


def reference(x, edge_index, counts, out_edge_idx, layer_i, W, att_i, att_j):
    # counts / out_edge_idx / layer_i are kernel-plumbing args; the math matches
    # MyGATlayer.propagate/message/aggr (GAT attention + softmax-by-dst + scatter-sum).
    N = x.shape[0]
    src = edge_index[0]
    dst = edge_index[1]  # edge_index_i (messages aggregated at dst)
    h = x @ W.T  # lin(x): (N, H*F)
    x_j = jnp.take(h, src, axis=0).reshape(-1, NUM_HEADS, OUT_FEATS)
    x_i = jnp.take(h, dst, axis=0).reshape(-1, NUM_HEADS, OUT_FEATS)
    alpha = (x_i * att_i).sum(-1) + (x_j * att_j).sum(-1)  # (E, H)
    alpha = jax.nn.leaky_relu(alpha, negative_slope=0.01)
    # edge softmax grouped by dst node
    amax = jax.ops.segment_max(alpha, dst, num_segments=N)
    alpha = jnp.exp(alpha - jnp.take(amax, dst, axis=0))
    denom = jax.ops.segment_sum(alpha, dst, num_segments=N)
    alpha = alpha / (jnp.take(denom, dst, axis=0) + 1e-16)
    # dropout p=0.0 -> identity
    msg = (x_j * alpha[:, :, None]).reshape(-1, NUM_HEADS * OUT_FEATS)
    out = jax.ops.segment_sum(msg, dst, num_segments=N)  # SumAggregation
    return out

if __name__ == "__main__":
    import jax
    _d = setup_inputs()
    print(jax.jit(kernel)(*tuple(_d.values())))

</pallas_src>

<mosaic_0001>
#map = affine_map<(d0, d1) -> (0, 0)>
#map1 = affine_map<(d0, d1) -> (0)>
module attributes {stable_mosaic.version = 14 : i64} {
  func.func @_sc_main(%arg0: i32, %arg1: i32, %arg2: memref<10000x144xf32, #tpu.memory_space<hbm>>, %arg3: memref<10000x16xf32, #tpu.memory_space<hbm>>, %arg4: memref<4096x80xi32, #tpu.memory_space<hbm>>, %arg5: memref<4096x80xi32, #tpu.memory_space<hbm>>, %arg6: memref<128xf32, #tpu.memory_space<hbm>>, %arg7: memref<128xf32, #tpu.memory_space<hbm>>, %arg8: memref<10000x144xf32, #tpu.memory_space<hbm>>, %arg9: memref<20000x144xf32, #tpu.memory_space<hbm>>, %arg10: memref<4x80xi32, #tpu.memory_space<vmem>>, %arg11: memref<4x80xi32, #tpu.memory_space<vmem>>, %arg12: memref<2x80x16xf32, #tpu.memory_space<vmem>>, %arg13: memref<2x80x144xf32, #tpu.memory_space<vmem>>, %arg14: memref<16xf32, #tpu.memory_space<vmem>>, %arg15: memref<16xf32, #tpu.memory_space<vmem>>, %arg16: memref<10000x144xf32, #tpu.memory_space<vmem_shared>>, %arg17: memref<2x!tpu.dma_semaphore, #tpu.memory_space<semaphore_mem>>, %arg18: memref<2x!tpu.dma_semaphore, #tpu.memory_space<semaphore_mem>>, %arg19: memref<2x!tpu.dma_semaphore, #tpu.memory_space<semaphore_mem>>) attributes {dimension_semantics = [#tpu.dimension_semantics<core_parallel>, #tpu.dimension_semantics<subcore_parallel>], iteration_bounds = array<i64: 2, 16>, scalar_prefetch = 0 : i64, scratch_operands = 10 : i64, tpu.core_type = #tpu.core_type<sc_vector_subcore>, window_params = [{transform_indices = #map}, {transform_indices = #map}, {transform_indices = #map}, {transform_indices = #map}, {transform_indices = #map1}, {transform_indices = #map1}, {transform_indices = #map}, {transform_indices = #map}]} {
    %mul3A = arith.constant 16 : i32
    %mul3A_0 = arith.muli %arg0, %mul3A : i32
    %add3A = arith.addi %mul3A_0, %arg1 : i32
    %mul3A_1 = arith.constant 128 : i32
    %mul3A_2 = arith.muli %add3A, %mul3A_1 : i32
    "tpu.region"() ({
      %run_scoped3A_87 = tpu.sem_alloc : memref<!tpu.dma_semaphore, #tpu.memory_space<semaphore_mem>>
      %dma_start3A_88 = arith.constant 0 : i32
      %dma_start3A_89 = tpu.memref_slice %arg6[%dma_start3A_88] : memref<128xf32, #tpu.memory_space<hbm>> -> memref<16xf32, #tpu.memory_space<hbm>>
      %dma_start3A_90 = arith.constant 0 : i32
      %dma_start3A_91 = tpu.memref_slice %arg6[%dma_start3A_90] : memref<128xf32, #tpu.memory_space<hbm>> -> memref<16xf32, #tpu.memory_space<hbm>>
      tpu.enqueue_dma source(%dma_start3A_91 : memref<16xf32, #tpu.memory_space<hbm>>) target(%arg14 : memref<16xf32, #tpu.memory_space<vmem>>) target_semaphore(%run_scoped3A_87 : memref<!tpu.dma_semaphore, #tpu.memory_space<semaphore_mem>>)
      %dma_wait3A_92 = arith.constant 0 : i32
      %dma_wait3A_93 = tpu.memref_slice %arg6[%dma_wait3A_92] : memref<128xf32, #tpu.memory_space<hbm>> -> memref<16xf32, #tpu.memory_space<hbm>>
      %dma_wait3A_94 = arith.constant 0 : i32
      %dma_wait3A_95 = tpu.memref_slice %arg6[%dma_wait3A_94] : memref<128xf32, #tpu.memory_space<hbm>> -> memref<16xf32, #tpu.memory_space<hbm>>
      tpu.wait_dma2 semaphore(%run_scoped3A_87 : memref<!tpu.dma_semaphore, #tpu.memory_space<semaphore_mem>>) src(%dma_wait3A_95 : memref<16xf32, #tpu.memory_space<hbm>>) dst(%arg14 : memref<16xf32, #tpu.memory_space<vmem>>)
      tpu.yield
    }) : () -> ()
    "tpu.region"() ({
      %run_scoped3A_87 = tpu.sem_alloc : memref<!tpu.dma_semaphore, #tpu.memory_space<semaphore_mem>>
      %dma_start3A_88 = arith.constant 0 : i32
      %dma_start3A_89 = tpu.memref_slice %arg7[%dma_start3A_88] : memref<128xf32, #tpu.memory_space<hbm>> -> memref<16xf32, #tpu.memory_space<hbm>>
      %dma_start3A_90 = arith.constant 0 : i32
      %dma_start3A_91 = tpu.memref_slice %arg7[%dma_start3A_90] : memref<128xf32, #tpu.memory_space<hbm>> -> memref<16xf32, #tpu.memory_space<hbm>>
      tpu.enqueue_dma source(%dma_start3A_91 : memref<16xf32, #tpu.memory_space<hbm>>) target(%arg15 : memref<16xf32, #tpu.memory_space<vmem>>) target_semaphore(%run_scoped3A_87 : memref<!tpu.dma_semaphore, #tpu.memory_space<semaphore_mem>>)
      %dma_wait3A_92 = arith.constant 0 : i32
      %dma_wait3A_93 = tpu.memref_slice %arg7[%dma_wait3A_92] : memref<128xf32, #tpu.memory_space<hbm>> -> memref<16xf32, #tpu.memory_space<hbm>>
      %dma_wait3A_94 = arith.constant 0 : i32
      %dma_wait3A_95 = tpu.memref_slice %arg7[%dma_wait3A_94] : memref<128xf32, #tpu.memory_space<hbm>> -> memref<16xf32, #tpu.memory_space<hbm>>
      tpu.wait_dma2 semaphore(%run_scoped3A_87 : memref<!tpu.dma_semaphore, #tpu.memory_space<semaphore_mem>>) src(%dma_wait3A_95 : memref<16xf32, #tpu.memory_space<hbm>>) dst(%arg15 : memref<16xf32, #tpu.memory_space<vmem>>)
      tpu.yield
    }) : () -> ()
    %lt3A = arith.constant 15 : i32
    %lt3A_3 = arith.cmpi slt, %arg1, %lt3A : i32
    %convert_element_type3A = arith.extui %lt3A_3 : i1 to i32
    %cond3A = arith.constant 0 : i32
    %cond3A_4 = arith.cmpi ne, %convert_element_type3A, %cond3A : i32
    scf.if %cond3A_4 {
      %mul3A_87 = arith.constant 632 : i32
      %mul3A_88 = arith.muli %arg1, %mul3A_87 : i32
      %mul3A_89 = arith.constant 632 : i32
      %mul3A_90 = arith.muli %arg1, %mul3A_89 : i32
      "tpu.region"() ({
        %run_scoped3A_91 = tpu.sem_alloc : memref<!tpu.dma_semaphore, #tpu.memory_space<semaphore_mem>>
        %dma_start3A_92 = arith.constant 0 : i32
        %dma_start3A_93 = tpu.memref_slice %arg16[%mul3A_90, %dma_start3A_92] : memref<10000x144xf32, #tpu.memory_space<vmem_shared>> -> memref<632x144xf32, #tpu.memory_space<vmem_shared>>
        %dma_start3A_94 = arith.constant 0 : i32
        %dma_start3A_95 = tpu.memref_slice %arg8[%mul3A_88, %dma_start3A_94] : memref<10000x144xf32, #tpu.memory_space<hbm>> -> memref<632x144xf32, #tpu.memory_space<hbm>>
        tpu.enqueue_dma source(%dma_start3A_95 : memref<632x144xf32, #tpu.memory_space<hbm>>) target(%dma_start3A_93 : memref<632x144xf32, #tpu.memory_space<vmem_shared>>) target_semaphore(%run_scoped3A_91 : memref<!tpu.dma_semaphore, #tpu.memory_space<semaphore_mem>>)
        %dma_wait3A_96 = arith.constant 0 : i32
        %dma_wait3A_97 = tpu.memref_slice %arg16[%mul3A_90, %dma_wait3A_96] : memref<10000x144xf32, #tpu.memory_space<vmem_shared>> -> memref<632x144xf32, #tpu.memory_space<vmem_shared>>
        %dma_wait3A_98 = arith.constant 0 : i32
        %dma_wait3A_99 = tpu.memref_slice %arg8[%mul3A_88, %dma_wait3A_98] : memref<10000x144xf32, #tpu.memory_space<hbm>> -> memref<632x144xf32, #tpu.memory_space<hbm>>
        tpu.wait_dma2 semaphore(%run_scoped3A_91 : memref<!tpu.dma_semaphore, #tpu.memory_space<semaphore_mem>>) src(%dma_wait3A_99 : memref<632x144xf32, #tpu.memory_space<hbm>>) dst(%dma_wait3A_97 : memref<632x144xf32, #tpu.memory_space<vmem_shared>>)
        tpu.yield
      }) : () -> ()
    } else {
    }
    %eq3A = arith.constant 15 : i32
    %eq3A_5 = arith.cmpi eq, %arg1, %eq3A : i32
    %convert_element_type3A_6 = arith.extui %eq3A_5 : i1 to i32
    %cond3A_7 = arith.constant 0 : i32
    %cond3A_8 = arith.cmpi ne, %convert_element_type3A_6, %cond3A_7 : i32
    scf.if %cond3A_8 {
      "tpu.region"() ({
        %run_scoped3A_87 = tpu.sem_alloc : memref<!tpu.dma_semaphore, #tpu.memory_space<semaphore_mem>>
        %dma_start3A_88 = arith.constant 9480 : i32
        %dma_start3A_89 = arith.constant 0 : i32
        %dma_start3A_90 = tpu.memref_slice %arg16[%dma_start3A_88, %dma_start3A_89] : memref<10000x144xf32, #tpu.memory_space<vmem_shared>> -> memref<520x144xf32, #tpu.memory_space<vmem_shared>>
        %dma_start3A_91 = arith.constant 9480 : i32
        %dma_start3A_92 = arith.constant 0 : i32
        %dma_start3A_93 = tpu.memref_slice %arg8[%dma_start3A_91, %dma_start3A_92] : memref<10000x144xf32, #tpu.memory_space<hbm>> -> memref<520x144xf32, #tpu.memory_space<hbm>>
        tpu.enqueue_dma source(%dma_start3A_93 : memref<520x144xf32, #tpu.memory_space<hbm>>) target(%dma_start3A_90 : memref<520x144xf32, #tpu.memory_space<vmem_shared>>) target_semaphore(%run_scoped3A_87 : memref<!tpu.dma_semaphore, #tpu.memory_space<semaphore_mem>>)
        %dma_wait3A_94 = arith.constant 9480 : i32
        %dma_wait3A_95 = arith.constant 0 : i32
        %dma_wait3A_96 = tpu.memref_slice %arg16[%dma_wait3A_94, %dma_wait3A_95] : memref<10000x144xf32, #tpu.memory_space<vmem_shared>> -> memref<520x144xf32, #tpu.memory_space<vmem_shared>>
        %dma_wait3A_97 = arith.constant 9480 : i32
        %dma_wait3A_98 = arith.constant 0 : i32
        %dma_wait3A_99 = tpu.memref_slice %arg8[%dma_wait3A_97, %dma_wait3A_98] : memref<10000x144xf32, #tpu.memory_space<hbm>> -> memref<520x144xf32, #tpu.memory_space<hbm>>
        tpu.wait_dma2 semaphore(%run_scoped3A_87 : memref<!tpu.dma_semaphore, #tpu.memory_space<semaphore_mem>>) src(%dma_wait3A_99 : memref<520x144xf32, #tpu.memory_space<hbm>>) dst(%dma_wait3A_96 : memref<520x144xf32, #tpu.memory_space<vmem_shared>>)
        tpu.yield
      }) : () -> ()
    } else {
    }
    %barrier3A = arith.constant 0 : index
    tpu.barrier barrier_id(%barrier3A)
    %get3A = arith.constant 0 : index
    %get3A_9 = tpu.vector_load %arg14[%get3A] {strides = array<i32>} : memref<16xf32, #tpu.memory_space<vmem>>, vector<16xf32>,
    %get3A_10 = arith.constant 0 : index
    %get3A_11 = tpu.vector_load %arg15[%get3A_10] {strides = array<i32>} : memref<16xf32, #tpu.memory_space<vmem>>, vector<16xf32>,
    %add3A_12 = arith.addf %get3A_9, %get3A_11 : vector<16xf32>
    %mul3A_13 = arith.constant 0.00999999977 : f32
    %mul3A_14 = vector.broadcast %mul3A_13 : f32 to vector<16xf32>
    %mul3A_15 = arith.mulf %mul3A_14, %add3A_12 : vector<16xf32>
    %max3A = arith.maximumf %add3A_12, %mul3A_15 : vector<16xf32>
    %iota3A = tpu.iota {dimensions = array<i32: 0>} : vector<16xi32>
    %lt3A_16 = arith.constant 4 : i32
    %lt3A_17 = vector.broadcast %lt3A_16 : i32 to vector<16xi32>
    %lt3A_18 = arith.cmpi slt, %iota3A, %lt3A_17 : vector<16xi32>
    %jit3A = arith.constant 1.000000e+00 : f32
    %jit3A_19 = arith.constant 0.000000e+00 : f32
    %broadcast_in_dim3A = vector.broadcast %jit3A : f32 to vector<16xf32>
    %broadcast_in_dim3A_20 = vector.broadcast %jit3A_19 : f32 to vector<16xf32>
    %select_n3A = arith.select %lt3A_18, %broadcast_in_dim3A, %broadcast_in_dim3A_20 : vector<16xi1>, vector<16xf32>
    %run_scoped3A = arith.constant 0 : i32
    "tpu.region"() ({
      %run_scoped3A_87 = tpu.sem_alloc : memref<!tpu.dma_semaphore, #tpu.memory_space<semaphore_mem>>
      %dma_start3A_88 = arith.constant 0 : i32
      %dma_start3A_89 = tpu.memref_slice %arg10[%run_scoped3A, %dma_start3A_88] : memref<4x80xi32, #tpu.memory_space<vmem>> -> memref<1x80xi32, #tpu.memory_space<vmem>>
      %dma_start3A_90 = tpu.memref_squeeze %dma_start3A_89 : memref<1x80xi32, #tpu.memory_space<vmem>> -> memref<80xi32, #tpu.memory_space<vmem>>
      %dma_start3A_91 = arith.constant 0 : i32
      %dma_start3A_92 = tpu.memref_slice %arg4[%mul3A_2, %dma_start3A_91] : memref<4096x80xi32, #tpu.memory_space<hbm>> -> memref<1x80xi32, #tpu.memory_space<hbm>>
      %dma_start3A_93 = tpu.memref_squeeze %dma_start3A_92 : memref<1x80xi32, #tpu.memory_space<hbm>> -> memref<80xi32, #tpu.memory_space<hbm>>
      %dma_start3A_94 = arith.constant 0 : i32
      %dma_start3A_95 = tpu.memref_slice %arg10[%run_scoped3A, %dma_start3A_94] : memref<4x80xi32, #tpu.memory_space<vmem>> -> memref<1x80xi32, #tpu.memory_space<vmem>>
      %dma_start3A_96 = tpu.memref_squeeze %dma_start3A_95 : memref<1x80xi32, #tpu.memory_space<vmem>> -> memref<80xi32, #tpu.memory_space<vmem>>
      %dma_start3A_97 = arith.constant 0 : i32
      %dma_start3A_98 = tpu.memref_slice %arg4[%mul3A_2, %dma_start3A_97] : memref<4096x80xi32, #tpu.memory_space<hbm>> -> memref<1x80xi32, #tpu.memory_space<hbm>>
      %dma_start3A_99 = tpu.memref_squeeze %dma_start3A_98 : memref<1x80xi32, #tpu.memory_space<hbm>> -> memref<80xi32, #tpu.memory_space<hbm>>
      tpu.enqueue_dma source(%dma_start3A_99 : memref<80xi32, #tpu.memory_space<hbm>>) target(%dma_start3A_96 : memref<80xi32, #tpu.memory_space<vmem>>) target_semaphore(%run_scoped3A_87 : memref<!tpu.dma_semaphore, #tpu.memory_space<semaphore_mem>>)
      %dma_wait3A_100 = arith.constant 0 : i32
      %dma_wait3A_101 = tpu.memref_slice %arg10[%run_scoped3A, %dma_wait3A_100] : memref<4x80xi32, #tpu.memory_space<vmem>> -> memref<1x80xi32, #tpu.memory_space<vmem>>
      %dma_wait3A_102 = tpu.memref_squeeze %dma_wait3A_101 : memref<1x80xi32, #tpu.memory_space<vmem>> -> memref<80xi32, #tpu.memory_space<vmem>>
      %dma_wait3A_103 = arith.constant 0 : i32
      %dma_wait3A_104 = tpu.memref_slice %arg4[%mul3A_2, %dma_wait3A_103] : memref<4096x80xi32, #tpu.memory_space<hbm>> -> memref<1x80xi32, #tpu.memory_space<hbm>>
      %dma_wait3A_105 = tpu.memref_squeeze %dma_wait3A_104 : memref<1x80xi32, #tpu.memory_space<hbm>> -> memref<80xi32, #tpu.memory_space<hbm>>
      %dma_wait3A_106 = arith.constant 0 : i32
      %dma_wait3A_107 = tpu.memref_slice %arg10[%run_scoped3A, %dma_wait3A_106] : memref<4x80xi32, #tpu.memory_space<vmem>> -> memref<1x80xi32, #tpu.memory_space<vmem>>
      %dma_wait3A_108 = tpu.memref_squeeze %dma_wait3A_107 : memref<1x80xi32, #tpu.memory_space<vmem>> -> memref<80xi32, #tpu.memory_space<vmem>>
      %dma_wait3A_109 = arith.constant 0 : i32
      %dma_wait3A_110 = tpu.memref_slice %arg4[%mul3A_2, %dma_wait3A_109] : memref<4096x80xi32, #tpu.memory_space<hbm>> -> memref<1x80xi32, #tpu.memory_space<hbm>>
      %dma_wait3A_111 = tpu.memref_squeeze %dma_wait3A_110 : memref<1x80xi32, #tpu.memory_space<hbm>> -> memref<80xi32, #tpu.memory_space<hbm>>
      tpu.wait_dma2 semaphore(%run_scoped3A_87 : memref<!tpu.dma_semaphore, #tpu.memory_space<semaphore_mem>>) src(%dma_wait3A_111 : memref<80xi32, #tpu.memory_space<hbm>>) dst(%dma_wait3A_108 : memref<80xi32, #tpu.memory_space<vmem>>)
      tpu.yield
    }) : () -> ()
    %run_scoped3A_21 = arith.constant 0 : i32
    "tpu.region"() ({
      %run_scoped3A_87 = tpu.sem_alloc : memref<!tpu.dma_semaphore, #tpu.memory_space<semaphore_mem>>
      %dma_start3A_88 = arith.constant 0 : i32
      %dma_start3A_89 = tpu.memref_slice %arg11[%run_scoped3A_21, %dma_start3A_88] : memref<4x80xi32, #tpu.memory_space<vmem>> -> memref<1x80xi32, #tpu.memory_space<vmem>>
      %dma_start3A_90 = tpu.memref_squeeze %dma_start3A_89 : memref<1x80xi32, #tpu.memory_space<vmem>> -> memref<80xi32, #tpu.memory_space<vmem>>
      %dma_start3A_91 = arith.constant 0 : i32
      %dma_start3A_92 = tpu.memref_slice %arg5[%mul3A_2, %dma_start3A_91] : memref<4096x80xi32, #tpu.memory_space<hbm>> -> memref<1x80xi32, #tpu.memory_space<hbm>>
      %dma_start3A_93 = tpu.memref_squeeze %dma_start3A_92 : memref<1x80xi32, #tpu.memory_space<hbm>> -> memref<80xi32, #tpu.memory_space<hbm>>
      %dma_start3A_94 = arith.constant 0 : i32
      %dma_start3A_95 = tpu.memref_slice %arg11[%run_scoped3A_21, %dma_start3A_94] : memref<4x80xi32, #tpu.memory_space<vmem>> -> memref<1x80xi32, #tpu.memory_space<vmem>>
      %dma_start3A_96 = tpu.memref_squeeze %dma_start3A_95 : memref<1x80xi32, #tpu.memory_space<vmem>> -> memref<80xi32, #tpu.memory_space<vmem>>
      %dma_start3A_97 = arith.constant 0 : i32
      %dma_start3A_98 = tpu.memref_slice %arg5[%mul3A_2, %dma_start3A_97] : memref<4096x80xi32, #tpu.memory_space<hbm>> -> memref<1x80xi32, #tpu.memory_space<hbm>>
      %dma_start3A_99 = tpu.memref_squeeze %dma_start3A_98 : memref<1x80xi32, #tpu.memory_space<hbm>> -> memref<80xi32, #tpu.memory_space<hbm>>
      tpu.enqueue_dma source(%dma_start3A_99 : memref<80xi32, #tpu.memory_space<hbm>>) target(%dma_start3A_96 : memref<80xi32, #tpu.memory_space<vmem>>) target_semaphore(%run_scoped3A_87 : memref<!tpu.dma_semaphore, #tpu.memory_space<semaphore_mem>>)
      %dma_wait3A_100 = arith.constant 0 : i32
      %dma_wait3A_101 = tpu.memref_slice %arg11[%run_scoped3A_21, %dma_wait3A_100] : memref<4x80xi32, #tpu.memory_space<vmem>> -> memref<1x80xi32, #tpu.memory_space<vmem>>
      %dma_wait3A_102 = tpu.memref_squeeze %dma_wait3A_101 : memref<1x80xi32, #tpu.memory_space<vmem>> -> memref<80xi32, #tpu.memory_space<vmem>>
      %dma_wait3A_103 = arith.constant 0 : i32
      %dma_wait3A_104 = tpu.memref_slice %arg5[%mul3A_2, %dma_wait3A_103] : memref<4096x80xi32, #tpu.memory_space<hbm>> -> memref<1x80xi32, #tpu.memory_space<hbm>>
      %dma_wait3A_105 = tpu.memref_squeeze %dma_wait3A_104 : memref<1x80xi32, #tpu.memory_space<hbm>> -> memref<80xi32, #tpu.memory_space<hbm>>
      %dma_wait3A_106 = arith.constant 0 : i32
      %dma_wait3A_107 = tpu.memref_slice %arg11[%run_scoped3A_21, %dma_wait3A_106] : memref<4x80xi32, #tpu.memory_space<vmem>> -> memref<1x80xi32, #tpu.memory_space<vmem>>
      %dma_wait3A_108 = tpu.memref_squeeze %dma_wait3A_107 : memref<1x80xi32, #tpu.memory_space<vmem>> -> memref<80xi32, #tpu.memory_space<vmem>>
      %dma_wait3A_109 = arith.constant 0 : i32
      %dma_wait3A_110 = tpu.memref_slice %arg5[%mul3A_2, %dma_wait3A_109] : memref<4096x80xi32, #tpu.memory_space<hbm>> -> memref<1x80xi32, #tpu.memory_space<hbm>>
      %dma_wait3A_111 = tpu.memref_squeeze %dma_wait3A_110 : memref<1x80xi32, #tpu.memory_space<hbm>> -> memref<80xi32, #tpu.memory_space<hbm>>
      tpu.wait_dma2 semaphore(%run_scoped3A_87 : memref<!tpu.dma_semaphore, #tpu.memory_space<semaphore_mem>>) src(%dma_wait3A_111 : memref<80xi32, #tpu.memory_space<hbm>>) dst(%dma_wait3A_108 : memref<80xi32, #tpu.memory_space<vmem>>)
      tpu.yield
    }) : () -> ()
    %add3A_22 = arith.constant 1 : i32
    %add3A_23 = arith.addi %mul3A_2, %add3A_22 : i32
    %run_scoped3A_24 = arith.constant 1 : i32
    "tpu.region"() ({
      %run_scoped3A_87 = tpu.sem_alloc : memref<!tpu.dma_semaphore, #tpu.memory_space<semaphore_mem>>
      %dma_start3A_88 = arith.constant 0 : i32
      %dma_start3A_89 = tpu.memref_slice %arg10[%run_scoped3A_24, %dma_start3A_88] : memref<4x80xi32, #tpu.memory_space<vmem>> -> memref<1x80xi32, #tpu.memory_space<vmem>>
      %dma_start3A_90 = tpu.memref_squeeze %dma_start3A_89 : memref<1x80xi32, #tpu.memory_space<vmem>> -> memref<80xi32, #tpu.memory_space<vmem>>
      %dma_start3A_91 = arith.constant 0 : i32
      %dma_start3A_92 = tpu.memref_slice %arg4[%add3A_23, %dma_start3A_91] : memref<4096x80xi32, #tpu.memory_space<hbm>> -> memref<1x80xi32, #tpu.memory_space<hbm>>
      %dma_start3A_93 = tpu.memref_squeeze %dma_start3A_92 : memref<1x80xi32, #tpu.memory_space<hbm>> -> memref<80xi32, #tpu.memory_space<hbm>>
      %dma_start3A_94 = arith.constant 0 : i32
      %dma_start3A_95 = tpu.memref_slice %arg10[%run_scoped3A_24, %dma_start3A_94] : memref<4x80xi32, #tpu.memory_space<vmem>> -> memref<1x80xi32, #tpu.memory_space<vmem>>
      %dma_start3A_96 = tpu.memref_squeeze %dma_start3A_95 : memref<1x80xi32, #tpu.memory_space<vmem>> -> memref<80xi32, #tpu.memory_space<vmem>>
      %dma_start3A_97 = arith.constant 0 : i32
      %dma_start3A_98 = tpu.memref_slice %arg4[%add3A_23, %dma_start3A_97] : memref<4096x80xi32, #tpu.memory_space<hbm>> -> memref<1x80xi32, #tpu.memory_space<hbm>>
      %dma_start3A_99 = tpu.memref_squeeze %dma_start3A_98 : memref<1x80xi32, #tpu.memory_space<hbm>> -> memref<80xi32, #tpu.memory_space<hbm>>
      tpu.enqueue_dma source(%dma_start3A_99 : memref<80xi32, #tpu.memory_space<hbm>>) target(%dma_start3A_96 : memref<80xi32, #tpu.memory_space<vmem>>) target_semaphore(%run_scoped3A_87 : memref<!tpu.dma_semaphore, #tpu.memory_space<semaphore_mem>>)
      %dma_wait3A_100 = arith.constant 0 : i32
      %dma_wait3A_101 = tpu.memref_slice %arg10[%run_scoped3A_24, %dma_wait3A_100] : memref<4x80xi32, #tpu.memory_space<vmem>> -> memref<1x80xi32, #tpu.memory_space<vmem>>
      %dma_wait3A_102 = tpu.memref_squeeze %dma_wait3A_101 : memref<1x80xi32, #tpu.memory_space<vmem>> -> memref<80xi32, #tpu.memory_space<vmem>>
      %dma_wait3A_103 = arith.constant 0 : i32
      %dma_wait3A_104 = tpu.memref_slice %arg4[%add3A_23, %dma_wait3A_103] : memref<4096x80xi32, #tpu.memory_space<hbm>> -> memref<1x80xi32, #tpu.memory_space<hbm>>
      %dma_wait3A_105 = tpu.memref_squeeze %dma_wait3A_104 : memref<1x80xi32, #tpu.memory_space<hbm>> -> memref<80xi32, #tpu.memory_space<hbm>>
      %dma_wait3A_106 = arith.constant 0 : i32
      %dma_wait3A_107 = tpu.memref_slice %arg10[%run_scoped3A_24, %dma_wait3A_106] : memref<4x80xi32, #tpu.memory_space<vmem>> -> memref<1x80xi32, #tpu.memory_space<vmem>>
      %dma_wait3A_108 = tpu.memref_squeeze %dma_wait3A_107 : memref<1x80xi32, #tpu.memory_space<vmem>> -> memref<80xi32, #tpu.memory_space<vmem>>
      %dma_wait3A_109 = arith.constant 0 : i32
      %dma_wait3A_110 = tpu.memref_slice %arg4[%add3A_23, %dma_wait3A_109] : memref<4096x80xi32, #tpu.memory_space<hbm>> -> memref<1x80xi32, #tpu.memory_space<hbm>>
      %dma_wait3A_111 = tpu.memref_squeeze %dma_wait3A_110 : memref<1x80xi32, #tpu.memory_space<hbm>> -> memref<80xi32, #tpu.memory_space<hbm>>
      tpu.wait_dma2 semaphore(%run_scoped3A_87 : memref<!tpu.dma_semaphore, #tpu.memory_space<semaphore_mem>>) src(%dma_wait3A_111 : memref<80xi32, #tpu.memory_space<hbm>>) dst(%dma_wait3A_108 : memref<80xi32, #tpu.memory_space<vmem>>)
      tpu.yield
    }) : () -> ()
    %add3A_25 = arith.constant 1 : i32
    %add3A_26 = arith.addi %mul3A_2, %add3A_25 : i32
    %run_scoped3A_27 = arith.constant 1 : i32
    "tpu.region"() ({
      %run_scoped3A_87 = tpu.sem_alloc : memref<!tpu.dma_semaphore, #tpu.memory_space<semaphore_mem>>
      %dma_start3A_88 = arith.constant 0 : i32
      %dma_start3A_89 = tpu.memref_slice %arg11[%run_scoped3A_27, %dma_start3A_88] : memref<4x80xi32, #tpu.memory_space<vmem>> -> memref<1x80xi32, #tpu.memory_space<vmem>>
      %dma_start3A_90 = tpu.memref_squeeze %dma_start3A_89 : memref<1x80xi32, #tpu.memory_space<vmem>> -> memref<80xi32, #tpu.memory_space<vmem>>
      %dma_start3A_91 = arith.constant 0 : i32
      %dma_start3A_92 = tpu.memref_slice %arg5[%add3A_26, %dma_start3A_91] : memref<4096x80xi32, #tpu.memory_space<hbm>> -> memref<1x80xi32, #tpu.memory_space<hbm>>
      %dma_start3A_93 = tpu.memref_squeeze %dma_start3A_92 : memref<1x80xi32, #tpu.memory_space<hbm>> -> memref<80xi32, #tpu.memory_space<hbm>>
      %dma_start3A_94 = arith.constant 0 : i32
      %dma_start3A_95 = tpu.memref_slice %arg11[%run_scoped3A_27, %dma_start3A_94] : memref<4x80xi32, #tpu.memory_space<vmem>> -> memref<1x80xi32, #tpu.memory_space<vmem>>
      %dma_start3A_96 = tpu.memref_squeeze %dma_start3A_95 : memref<1x80xi32, #tpu.memory_space<vmem>> -> memref<80xi32, #tpu.memory_space<vmem>>
      %dma_start3A_97 = arith.constant 0 : i32
      %dma_start3A_98 = tpu.memref_slice %arg5[%add3A_26, %dma_start3A_97] : memref<4096x80xi32, #tpu.memory_space<hbm>> -> memref<1x80xi32, #tpu.memory_space<hbm>>
      %dma_start3A_99 = tpu.memref_squeeze %dma_start3A_98 : memref<1x80xi32, #tpu.memory_space<hbm>> -> memref<80xi32, #tpu.memory_space<hbm>>
      tpu.enqueue_dma source(%dma_start3A_99 : memref<80xi32, #tpu.memory_space<hbm>>) target(%dma_start3A_96 : memref<80xi32, #tpu.memory_space<vmem>>) target_semaphore(%run_scoped3A_87 : memref<!tpu.dma_semaphore, #tpu.memory_space<semaphore_mem>>)
      %dma_wait3A_100 = arith.constant 0 : i32
      %dma_wait3A_101 = tpu.memref_slice %arg11[%run_scoped3A_27, %dma_wait3A_100] : memref<4x80xi32, #tpu.memory_space<vmem>> -> memref<1x80xi32, #tpu.memory_space<vmem>>
      %dma_wait3A_102 = tpu.memref_squeeze %dma_wait3A_101 : memref<1x80xi32, #tpu.memory_space<vmem>> -> memref<80xi32, #tpu.memory_space<vmem>>
      %dma_wait3A_103 = arith.constant 0 : i32
      %dma_wait3A_104 = tpu.memref_slice %arg5[%add3A_26, %dma_wait3A_103] : memref<4096x80xi32, #tpu.memory_space<hbm>> -> memref<1x80xi32, #tpu.memory_space<hbm>>
      %dma_wait3A_105 = tpu.memref_squeeze %dma_wait3A_104 : memref<1x80xi32, #tpu.memory_space<hbm>> -> memref<80xi32, #tpu.memory_space<hbm>>
      %dma_wait3A_106 = arith.constant 0 : i32
      %dma_wait3A_107 = tpu.memref_slice %arg11[%run_scoped3A_27, %dma_wait3A_106] : memref<4x80xi32, #tpu.memory_space<vmem>> -> memref<1x80xi32, #tpu.memory_space<vmem>>
      %dma_wait3A_108 = tpu.memref_squeeze %dma_wait3A_107 : memref<1x80xi32, #tpu.memory_space<vmem>> -> memref<80xi32, #tpu.memory_space<vmem>>
      %dma_wait3A_109 = arith.constant 0 : i32
      %dma_wait3A_110 = tpu.memref_slice %arg5[%add3A_26, %dma_wait3A_109] : memref<4096x80xi32, #tpu.memory_space<hbm>> -> memref<1x80xi32, #tpu.memory_space<hbm>>
      %dma_wait3A_111 = tpu.memref_squeeze %dma_wait3A_110 : memref<1x80xi32, #tpu.memory_space<hbm>> -> memref<80xi32, #tpu.memory_space<hbm>>
      tpu.wait_dma2 semaphore(%run_scoped3A_87 : memref<!tpu.dma_semaphore, #tpu.memory_space<semaphore_mem>>) src(%dma_wait3A_111 : memref<80xi32, #tpu.memory_space<hbm>>) dst(%dma_wait3A_108 : memref<80xi32, #tpu.memory_space<vmem>>)
      tpu.yield
    }) : () -> ()
    %dma_start3A = arith.constant 0 : i32
    %dma_start3A_28 = arith.constant 0 : i32
    %dma_start3A_29 = arith.constant 0 : i32
    %dma_start3A_30 = arith.constant 0 : i32
    %dma_start3A_31 = arith.constant 0 : i32
    %dma_start3A_32 = tpu.memref_slice %arg13[%dma_start3A_28, %dma_start3A_30, %dma_start3A_31] : memref<2x80x144xf32, #tpu.memory_space<vmem>> -> memref<1x80x144xf32, #tpu.memory_space<vmem>>
    %dma_start3A_33 = tpu.memref_squeeze %dma_start3A_32 : memref<1x80x144xf32, #tpu.memory_space<vmem>> -> memref<80x144xf32, #tpu.memory_space<vmem>>
    %dma_start3A_34 = arith.constant 0 : i32
    %dma_start3A_35 = tpu.memref_slice %arg10[%dma_start3A, %dma_start3A_34] : memref<4x80xi32, #tpu.memory_space<vmem>> -> memref<1x80xi32, #tpu.memory_space<vmem>>
    %dma_start3A_36 = tpu.memref_squeeze %dma_start3A_35 : memref<1x80xi32, #tpu.memory_space<vmem>> -> memref<80xi32, #tpu.memory_space<vmem>>
    %dma_start3A_37 = arith.constant 0 : i32
    %dma_start3A_38 = arith.constant 0 : i32
    %dma_start3A_39 = tpu.memref_slice %arg2[%dma_start3A_37, %dma_start3A_38] : memref<10000x144xf32, #tpu.memory_space<hbm>> -> memref<10000x144xf32, #tpu.memory_space<hbm>>
    %dma_start3A_40 = tpu.memref_slice %arg17[%dma_start3A_29] : memref<2x!tpu.dma_semaphore, #tpu.memory_space<semaphore_mem>> -> memref<1x!tpu.dma_semaphore, #tpu.memory_space<semaphore_mem>>
    %dma_start3A_41 = tpu.memref_squeeze %dma_start3A_40 : memref<1x!tpu.dma_semaphore, #tpu.memory_space<semaphore_mem>> -> memref<!tpu.dma_semaphore, #tpu.memory_space<semaphore_mem>>
    tpu.enqueue_indirect_dma source(%dma_start3A_39 : memref<10000x144xf32, #tpu.memory_space<hbm>>) target(%dma_start3A_33 : memref<80x144xf32, #tpu.memory_space<vmem>>) offsets(%dma_start3A_36 : memref<80xi32, #tpu.memory_space<vmem>>) semaphore(%dma_start3A_41 : memref<!tpu.dma_semaphore, #tpu.memory_space<semaphore_mem>>)
    %dma_start3A_42 = arith.constant 0 : i32
    %dma_start3A_43 = arith.constant 0 : i32
    %dma_start3A_44 = arith.constant 0 : i32
    %dma_start3A_45 = arith.constant 0 : i32
    %dma_start3A_46 = arith.constant 0 : i32
    %dma_start3A_47 = tpu.memref_slice %arg12[%dma_start3A_43, %dma_start3A_45, %dma_start3A_46] : memref<2x80x16xf32, #tpu.memory_space<vmem>> -> memref<1x80x16xf32, #tpu.memory_space<vmem>>
    %dma_start3A_48 = tpu.memref_squeeze %dma_start3A_47 : memref<1x80x16xf32, #tpu.memory_space<vmem>> -> memref<80x16xf32, #tpu.memory_space<vmem>>
    %dma_start3A_49 = arith.constant 0 : i32
    %dma_start3A_50 = tpu.memref_slice %arg11[%dma_start3A_42, %dma_start3A_49] : memref<4x80xi32, #tpu.memory_space<vmem>> -> memref<1x80xi32, #tpu.memory_space<vmem>>
    %dma_start3A_51 = tpu.memref_squeeze %dma_start3A_50 : memref<1x80xi32, #tpu.memory_space<vmem>> -> memref<80xi32, #tpu.memory_space<vmem>>
    %dma_start3A_52 = arith.constant 0 : i32
    %dma_start3A_53 = arith.constant 0 : i32
    %dma_start3A_54 = tpu.memref_slice %arg3[%dma_start3A_52, %dma_start3A_53] : memref<10000x16xf32, #tpu.memory_space<hbm>> -> memref<10000x16xf32, #tpu.memory_space<hbm>>
    %dma_start3A_55 = tpu.memref_slice %arg17[%dma_start3A_44] : memref<2x!tpu.dma_semaphore, #tpu.memory_space<semaphore_mem>> -> memref<1x!tpu.dma_semaphore, #tpu.memory_space<semaphore_mem>>
    %dma_start3A_56 = tpu.memref_squeeze %dma_start3A_55 : memref<1x!tpu.dma_semaphore, #tpu.memory_space<semaphore_mem>> -> memref<!tpu.dma_semaphore, #tpu.memory_space<semaphore_mem>>
    tpu.enqueue_indirect_dma source(%dma_start3A_54 : memref<10000x16xf32, #tpu.memory_space<hbm>>) target(%dma_start3A_48 : memref<80x16xf32, #tpu.memory_space<vmem>>) offsets(%dma_start3A_51 : memref<80xi32, #tpu.memory_space<vmem>>) semaphore(%dma_start3A_56 : memref<!tpu.dma_semaphore, #tpu.memory_space<semaphore_mem>>)
    %scan3A = arith.constant 0 : i32
    %scan3A_57 = arith.constant 0 : i32
    %scan3A_58 = arith.constant 125 : i32
    %scan3A_59 = arith.addi %scan3A_57, %scan3A_58 : i32
    %scan3A_60 = arith.constant 1 : i32
    scf.for %scan3A_87 = %scan3A_57 to %scan3A_59 step %scan3A_60  : i32 {
      %rem3A = arith.constant 2 : i32
      %rem3A_88 = arith.remsi %scan3A_87, %rem3A : i32
      %add3A_89 = arith.constant 1 : i32
      %add3A_90 = arith.addi %scan3A_87, %add3A_89 : i32
      %rem3A_91 = arith.constant 2 : i32
      %rem3A_92 = arith.remsi %add3A_90, %rem3A_91 : i32
      %rem3A_93 = arith.constant 4 : i32
      %rem3A_94 = arith.remsi %scan3A_87, %rem3A_93 : i32
      %add3A_95 = arith.constant 1 : i32
      %add3A_96 = arith.addi %scan3A_87, %add3A_95 : i32
      %rem3A_97 = arith.constant 4 : i32
      %rem3A_98 = arith.remsi %add3A_96, %rem3A_97 : i32
      %add3A_99 = arith.constant 2 : i32
      %add3A_100 = arith.addi %scan3A_87, %add3A_99 : i32
      %rem3A_101 = arith.constant 4 : i32
      %rem3A_102 = arith.remsi %add3A_100, %rem3A_101 : i32
      %dma_wait3A_103 = arith.constant 0 : i32
      %dma_wait3A_104 = arith.constant 0 : i32
      %dma_wait3A_105 = tpu.memref_slice %arg13[%rem3A_88, %dma_wait3A_103, %dma_wait3A_104] : memref<2x80x144xf32, #tpu.memory_space<vmem>> -> memref<1x80x144xf32, #tpu.memory_space<vmem>>
      %dma_wait3A_106 = tpu.memref_squeeze %dma_wait3A_105 : memref<1x80x144xf32, #tpu.memory_space<vmem>> -> memref<80x144xf32, #tpu.memory_space<vmem>>
      %dma_wait3A_107 = arith.constant 0 : i32
      %dma_wait3A_108 = tpu.memref_slice %arg10[%rem3A_94, %dma_wait3A_107] : memref<4x80xi32, #tpu.memory_space<vmem>> -> memref<1x80xi32, #tpu.memory_space<vmem>>
      %dma_wait3A_109 = tpu.memref_squeeze %dma_wait3A_108 : memref<1x80xi32, #tpu.memory_space<vmem>> -> memref<80xi32, #tpu.memory_space<vmem>>
      %dma_wait3A_110 = arith.constant 0 : i32
      %dma_wait3A_111 = arith.constant 0 : i32
      %dma_wait3A_112 = tpu.memref_slice %arg2[%dma_wait3A_110, %dma_wait3A_111] : memref<10000x144xf32, #tpu.memory_space<hbm>> -> memref<10000x144xf32, #tpu.memory_space<hbm>>
      %dma_wait3A_113 = tpu.memref_slice %arg17[%rem3A_88] : memref<2x!tpu.dma_semaphore, #tpu.memory_space<semaphore_mem>> -> memref<1x!tpu.dma_semaphore, #tpu.memory_space<semaphore_mem>>
      %dma_wait3A_114 = tpu.memref_squeeze %dma_wait3A_113 : memref<1x!tpu.dma_semaphore, #tpu.memory_space<semaphore_mem>> -> memref<!tpu.dma_semaphore, #tpu.memory_space<semaphore_mem>>
      tpu.wait_indirect_dma semaphore(%dma_wait3A_114 : memref<!tpu.dma_semaphore, #tpu.memory_space<semaphore_mem>>) src(%dma_wait3A_112 : memref<10000x144xf32, #tpu.memory_space<hbm>>) dst(%dma_wait3A_106 : memref<80x144xf32, #tpu.memory_space<vmem>>)
      %dma_wait3A_115 = arith.constant 0 : i32
      %dma_wait3A_116 = arith.constant 0 : i32
      %dma_wait3A_117 = tpu.memref_slice %arg12[%rem3A_88, %dma_wait3A_115, %dma_wait3A_116] : memref<2x80x16xf32, #tpu.memory_space<vmem>> -> memref<1x80x16xf32, #tpu.memory_space<vmem>>
      %dma_wait3A_118 = tpu.memref_squeeze %dma_wait3A_117 : memref<1x80x16xf32, #tpu.memory_space<vmem>> -> memref<80x16xf32, #tpu.memory_space<vmem>>
      %dma_wait3A_119 = arith.constant 0 : i32
      %dma_wait3A_120 = tpu.memref_slice %arg11[%rem3A_94, %dma_wait3A_119] : memref<4x80xi32, #tpu.memory_space<vmem>> -> memref<1x80xi32, #tpu.memory_space<vmem>>
      %dma_wait3A_121 = tpu.memref_squeeze %dma_wait3A_120 : memref<1x80xi32, #tpu.memory_space<vmem>> -> memref<80xi32, #tpu.memory_space<vmem>>
      %dma_wait3A_122 = arith.constant 0 : i32
      %dma_wait3A_123 = arith.constant 0 : i32
      %dma_wait3A_124 = tpu.memref_slice %arg3[%dma_wait3A_122, %dma_wait3A_123] : memref<10000x16xf32, #tpu.memory_space<hbm>> -> memref<10000x16xf32, #tpu.memory_space<hbm>>
      %dma_wait3A_125 = tpu.memref_slice %arg17[%rem3A_88] : memref<2x!tpu.dma_semaphore, #tpu.memory_space<semaphore_mem>> -> memref<1x!tpu.dma_semaphore, #tpu.memory_space<semaphore_mem>>
      %dma_wait3A_126 = tpu.memref_squeeze %dma_wait3A_125 : memref<1x!tpu.dma_semaphore, #tpu.memory_space<semaphore_mem>> -> memref<!tpu.dma_semaphore, #tpu.memory_space<semaphore_mem>>
      tpu.wait_indirect_dma semaphore(%dma_wait3A_126 : memref<!tpu.dma_semaphore, #tpu.memory_space<semaphore_mem>>) src(%dma_wait3A_124 : memref<10000x16xf32, #tpu.memory_space<hbm>>) dst(%dma_wait3A_118 : memref<80x16xf32, #tpu.memory_space<vmem>>)
      %ge3A = arith.constant 1 : i32
      %ge3A_127 = arith.cmpi sge, %scan3A_87, %ge3A : i32
      %add3A_128 = arith.constant 1 : i32
      %add3A_129 = arith.addi %scan3A_87, %add3A_128 : i32
      %lt3A_130 = arith.constant 125 : i32
      %lt3A_131 = arith.cmpi slt, %add3A_129, %lt3A_130 : i32
      %and3A = arith.andi %ge3A_127, %lt3A_131 : i1
      %convert_element_type3A_132 = arith.extui %and3A : i1 to i32
      %cond3A_133 = arith.constant 0 : i32
      %cond3A_134 = arith.cmpi ne, %convert_element_type3A_132, %cond3A_133 : i32
      scf.if %cond3A_134 {
        %add3A_172 = arith.addi %mul3A_2, %scan3A_87 : i32
        %add3A_173 = arith.constant 1 : i32
        %add3A_174 = arith.addi %add3A_172, %add3A_173 : i32
        %dma_wait3A_175 = arith.constant 0 : i32
        %dma_wait3A_176 = tpu.memref_slice %arg10[%rem3A_98, %dma_wait3A_175] : memref<4x80xi32, #tpu.memory_space<vmem>> -> memref<1x80xi32, #tpu.memory_space<vmem>>
        %dma_wait3A_177 = tpu.memref_squeeze %dma_wait3A_176 : memref<1x80xi32, #tpu.memory_space<vmem>> -> memref<80xi32, #tpu.memory_space<vmem>>
        %dma_wait3A_178 = arith.constant 0 : i32
        %dma_wait3A_179 = tpu.memref_slice %arg4[%add3A_174, %dma_wait3A_178] : memref<4096x80xi32, #tpu.memory_space<hbm>> -> memref<1x80xi32, #tpu.memory_space<hbm>>
        %dma_wait3A_180 = tpu.memref_squeeze %dma_wait3A_179 : memref<1x80xi32, #tpu.memory_space<hbm>> -> memref<80xi32, #tpu.memory_space<hbm>>
        %dma_wait3A_181 = tpu.memref_slice %arg19[%rem3A_92] : memref<2x!tpu.dma_semaphore, #tpu.memory_space<semaphore_mem>> -> memref<1x!tpu.dma_semaphore, #tpu.memory_space<semaphore_mem>>
        %dma_wait3A_182 = tpu.memref_squeeze %dma_wait3A_181 : memref<1x!tpu.dma_semaphore, #tpu.memory_space<semaphore_mem>> -> memref<!tpu.dma_semaphore, #tpu.memory_space<semaphore_mem>>
        %dma_wait3A_183 = arith.constant 0 : i32
        %dma_wait3A_184 = tpu.memref_slice %arg10[%rem3A_98, %dma_wait3A_183] : memref<4x80xi32, #tpu.memory_space<vmem>> -> memref<1x80xi32, #tpu.memory_space<vmem>>
        %dma_wait3A_185 = tpu.memref_squeeze %dma_wait3A_184 : memref<1x80xi32, #tpu.memory_space<vmem>> -> memref<80xi32, #tpu.memory_space<vmem>>
        %dma_wait3A_186 = arith.constant 0 : i32
        %dma_wait3A_187 = tpu.memref_slice %arg4[%add3A_174, %dma_wait3A_186] : memref<4096x80xi32, #tpu.memory_space<hbm>> -> memref<1x80xi32, #tpu.memory_space<hbm>>
        %dma_wait3A_188 = tpu.memref_squeeze %dma_wait3A_187 : memref<1x80xi32, #tpu.memory_space<hbm>> -> memref<80xi32, #tpu.memory_space<hbm>>
        tpu.wait_dma2 semaphore(%dma_wait3A_182 : memref<!tpu.dma_semaphore, #tpu.memory_space<semaphore_mem>>) src(%dma_wait3A_188 : memref<80xi32, #tpu.memory_space<hbm>>) dst(%dma_wait3A_185 : memref<80xi32, #tpu.memory_space<vmem>>)
        %add3A_189 = arith.addi %mul3A_2, %scan3A_87 : i32
        %add3A_190 = arith.constant 1 : i32
        %add3A_191 = arith.addi %add3A_189, %add3A_190 : i32
        %dma_wait3A_192 = arith.constant 0 : i32
        %dma_wait3A_193 = tpu.memref_slice %arg11[%rem3A_98, %dma_wait3A_192] : memref<4x80xi32, #tpu.memory_space<vmem>> -> memref<1x80xi32, #tpu.memory_space<vmem>>
        %dma_wait3A_194 = tpu.memref_squeeze %dma_wait3A_193 : memref<1x80xi32, #tpu.memory_space<vmem>> -> memref<80xi32, #tpu.memory_space<vmem>>
        %dma_wait3A_195 = arith.constant 0 : i32
        %dma_wait3A_196 = tpu.memref_slice %arg5[%add3A_191, %dma_wait3A_195] : memref<4096x80xi32, #tpu.memory_space<hbm>> -> memref<1x80xi32, #tpu.memory_space<hbm>>
        %dma_wait3A_197 = tpu.memref_squeeze %dma_wait3A_196 : memref<1x80xi32, #tpu.memory_space<hbm>> -> memref<80xi32, #tpu.memory_space<hbm>>
        %dma_wait3A_198 = tpu.memref_slice %arg19[%rem3A_92] : memref<2x!tpu.dma_semaphore, #tpu.memory_space<semaphore_mem>> -> memref<1x!tpu.dma_semaphore, #tpu.memory_space<semaphore_mem>>
        %dma_wait3A_199 = tpu.memref_squeeze %dma_wait3A_198 : memref<1x!tpu.dma_semaphore, #tpu.memory_space<semaphore_mem>> -> memref<!tpu.dma_semaphore, #tpu.memory_space<semaphore_mem>>
        %dma_wait3A_200 = arith.constant 0 : i32
        %dma_wait3A_201 = tpu.memref_slice %arg11[%rem3A_98, %dma_wait3A_200] : memref<4x80xi32, #tpu.memory_space<vmem>> -> memref<1x80xi32, #tpu.memory_space<vmem>>
        %dma_wait3A_202 = tpu.memref_squeeze %dma_wait3A_201 : memref<1x80xi32, #tpu.memory_space<vmem>> -> memref<80xi32, #tpu.memory_space<vmem>>
        %dma_wait3A_203 = arith.constant 0 : i32
        %dma_wait3A_204 = tpu.memref_slice %arg5[%add3A_191, %dma_wait3A_203] : memref<4096x80xi32, #tpu.memory_space<hbm>> -> memref<1x80xi32, #tpu.memory_space<hbm>>
        %dma_wait3A_205 = tpu.memref_squeeze %dma_wait3A_204 : memref<1x80xi32, #tpu.memory_space<hbm>> -> memref<80xi32, #tpu.memory_space<hbm>>
        tpu.wait_dma2 semaphore(%dma_wait3A_199 : memref<!tpu.dma_semaphore, #tpu.memory_space<semaphore_mem>>) src(%dma_wait3A_205 : memref<80xi32, #tpu.memory_space<hbm>>) dst(%dma_wait3A_202 : memref<80xi32, #tpu.memory_space<vmem>>)
      } else {
      }
      %ge3A_135 = arith.constant 1 : i32
      %ge3A_136 = arith.cmpi sge, %scan3A_87, %ge3A_135 : i32
      %convert_element_type3A_137 = arith.extui %ge3A_136 : i1 to i32
      %cond3A_138 = arith.constant 0 : i32
      %cond3A_139 = arith.cmpi ne, %convert_element_type3A_137, %cond3A_138 : i32
      scf.if %cond3A_139 {
        %dma_wait3A_172 = arith.constant 0 : i32
        %dma_wait3A_173 = arith.constant 0 : i32
        %dma_wait3A_174 = tpu.memref_slice %arg13[%rem3A_92, %dma_wait3A_172, %dma_wait3A_173] : memref<2x80x144xf32, #tpu.memory_space<vmem>> -> memref<1x80x144xf32, #tpu.memory_space<vmem>>
        %dma_wait3A_175 = tpu.memref_squeeze %dma_wait3A_174 : memref<1x80x144xf32, #tpu.memory_space<vmem>> -> memref<80x144xf32, #tpu.memory_space<vmem>>
        %dma_wait3A_176 = arith.constant 0 : i32
        %dma_wait3A_177 = tpu.memref_slice %arg11[%rem3A_98, %dma_wait3A_176] : memref<4x80xi32, #tpu.memory_space<vmem>> -> memref<1x80xi32, #tpu.memory_space<vmem>>
        %dma_wait3A_178 = tpu.memref_squeeze %dma_wait3A_177 : memref<1x80xi32, #tpu.memory_space<vmem>> -> memref<80xi32, #tpu.memory_space<vmem>>
        %dma_wait3A_179 = arith.constant 0 : i32
        %dma_wait3A_180 = arith.constant 0 : i32
        %dma_wait3A_181 = tpu.memref_slice %arg16[%dma_wait3A_179, %dma_wait3A_180] : memref<10000x144xf32, #tpu.memory_space<vmem_shared>> -> memref<10000x144xf32, #tpu.memory_space<vmem_shared>>
        %dma_wait3A_182 = tpu.memref_slice %arg18[%rem3A_92] : memref<2x!tpu.dma_semaphore, #tpu.memory_space<semaphore_mem>> -> memref<1x!tpu.dma_semaphore, #tpu.memory_space<semaphore_mem>>
        %dma_wait3A_183 = tpu.memref_squeeze %dma_wait3A_182 : memref<1x!tpu.dma_semaphore, #tpu.memory_space<semaphore_mem>> -> memref<!tpu.dma_semaphore, #tpu.memory_space<semaphore_mem>>
        tpu.wait_indirect_dma semaphore(%dma_wait3A_183 : memref<!tpu.dma_semaphore, #tpu.memory_space<semaphore_mem>>) src(%dma_wait3A_175 : memref<80x144xf32, #tpu.memory_space<vmem>>) dst(%dma_wait3A_181 : memref<10000x144xf32, #tpu.memory_space<vmem_shared>>)
      } else {
      }
      %add3A_140 = arith.constant 1 : i32
      %add3A_141 = arith.addi %scan3A_87, %add3A_140 : i32
      %lt3A_142 = arith.constant 125 : i32
      %lt3A_143 = arith.cmpi slt, %add3A_141, %lt3A_142 : i32
      %convert_element_type3A_144 = arith.extui %lt3A_143 : i1 to i32
      %cond3A_145 = arith.constant 0 : i32
      %cond3A_146 = arith.cmpi ne, %convert_element_type3A_144, %cond3A_145 : i32
      scf.if %cond3A_146 {
        %dma_start3A_172 = arith.constant 0 : i32
        %dma_start3A_173 = arith.constant 0 : i32
        %dma_start3A_174 = tpu.memref_slice %arg13[%rem3A_92, %dma_start3A_172, %dma_start3A_173] : memref<2x80x144xf32, #tpu.memory_space<vmem>> -> memref<1x80x144xf32, #tpu.memory_space<vmem>>
        %dma_start3A_175 = tpu.memref_squeeze %dma_start3A_174 : memref<1x80x144xf32, #tpu.memory_space<vmem>> -> memref<80x144xf32, #tpu.memory_space<vmem>>
        %dma_start3A_176 = arith.constant 0 : i32
        %dma_start3A_177 = tpu.memref_slice %arg10[%rem3A_98, %dma_start3A_176] : memref<4x80xi32, #tpu.memory_space<vmem>> -> memref<1x80xi32, #tpu.memory_space<vmem>>
        %dma_start3A_178 = tpu.memref_squeeze %dma_start3A_177 : memref<1x80xi32, #tpu.memory_space<vmem>> -> memref<80xi32, #tpu.memory_space<vmem>>
        %dma_start3A_179 = arith.constant 0 : i32
        %dma_start3A_180 = arith.constant 0 : i32
        %dma_start3A_181 = tpu.memref_slice %arg2[%dma_start3A_179, %dma_start3A_180] : memref<10000x144xf32, #tpu.memory_space<hbm>> -> memref<10000x144xf32, #tpu.memory_space<hbm>>
        %dma_start3A_182 = tpu.memref_slice %arg17[%rem3A_92] : memref<2x!tpu.dma_semaphore, #tpu.memory_space<semaphore_mem>> -> memref<1x!tpu.dma_semaphore, #tpu.memory_space<semaphore_mem>>
        %dma_start3A_183 = tpu.memref_squeeze %dma_start3A_182 : memref<1x!tpu.dma_semaphore, #tpu.memory_space<semaphore_mem>> -> memref<!tpu.dma_semaphore, #tpu.memory_space<semaphore_mem>>
        tpu.enqueue_indirect_dma source(%dma_start3A_181 : memref<10000x144xf32, #tpu.memory_space<hbm>>) target(%dma_start3A_175 : memref<80x144xf32, #tpu.memory_space<vmem>>) offsets(%dma_start3A_178 : memref<80xi32, #tpu.memory_space<vmem>>) semaphore(%dma_start3A_183 : memref<!tpu.dma_semaphore, #tpu.memory_space<semaphore_mem>>)
        %dma_start3A_184 = arith.constant 0 : i32
        %dma_start3A_185 = arith.constant 0 : i32
        %dma_start3A_186 = tpu.memref_slice %arg12[%rem3A_92, %dma_start3A_184, %dma_start3A_185] : memref<2x80x16xf32, #tpu.memory_space<vmem>> -> memref<1x80x16xf32, #tpu.memory_space<vmem>>
        %dma_start3A_187 = tpu.memref_squeeze %dma_start3A_186 : memref<1x80x16xf32, #tpu.memory_space<vmem>> -> memref<80x16xf32, #tpu.memory_space<vmem>>
        %dma_start3A_188 = arith.constant 0 : i32
        %dma_start3A_189 = tpu.memref_slice %arg11[%rem3A_98, %dma_start3A_188] : memref<4x80xi32, #tpu.memory_space<vmem>> -> memref<1x80xi32, #tpu.memory_space<vmem>>
        %dma_start3A_190 = tpu.memref_squeeze %dma_start3A_189 : memref<1x80xi32, #tpu.memory_space<vmem>> -> memref<80xi32, #tpu.memory_space<vmem>>
        %dma_start3A_191 = arith.constant 0 : i32
        %dma_start3A_192 = arith.constant 0 : i32
        %dma_start3A_193 = tpu.memref_slice %arg3[%dma_start3A_191, %dma_start3A_192] : memref<10000x16xf32, #tpu.memory_space<hbm>> -> memref<10000x16xf32, #tpu.memory_space<hbm>>
        %dma_start3A_194 = tpu.memref_slice %arg17[%rem3A_92] : memref<2x!tpu.dma_semaphore, #tpu.memory_space<semaphore_mem>> -> memref<1x!tpu.dma_semaphore, #tpu.memory_space<semaphore_mem>>
        %dma_start3A_195 = tpu.memref_squeeze %dma_start3A_194 : memref<1x!tpu.dma_semaphore, #tpu.memory_space<semaphore_mem>> -> memref<!tpu.dma_semaphore, #tpu.memory_space<semaphore_mem>>
        tpu.enqueue_indirect_dma source(%dma_start3A_193 : memref<10000x16xf32, #tpu.memory_space<hbm>>) target(%dma_start3A_187 : memref<80x16xf32, #tpu.memory_space<vmem>>) offsets(%dma_start3A_190 : memref<80xi32, #tpu.memory_space<vmem>>) semaphore(%dma_start3A_195 : memref<!tpu.dma_semaphore, #tpu.memory_space<semaphore_mem>>)
      } else {
      }
      %add3A_147 = arith.constant 2 : i32
      %add3A_148 = arith.addi %scan3A_87, %add3A_147 : i32
      %lt3A_149 = arith.constant 125 : i32
      %lt3A_150 = arith.cmpi slt, %add3A_148, %lt3A_149 : i32
      %convert_element_type3A_151 = arith.extui %lt3A_150 : i1 to i32
      %cond3A_152 = arith.constant 0 : i32
      %cond3A_153 = arith.cmpi ne, %convert_element_type3A_151, %cond3A_152 : i32
      scf.if %cond3A_153 {
        %add3A_172 = arith.addi %mul3A_2, %scan3A_87 : i32
        %add3A_173 = arith.constant 2 : i32
        %add3A_174 = arith.addi %add3A_172, %add3A_173 : i32
        %dma_start3A_175 = arith.constant 0 : i32
        %dma_start3A_176 = tpu.memref_slice %arg10[%rem3A_102, %dma_start3A_175] : memref<4x80xi32, #tpu.memory_space<vmem>> -> memref<1x80xi32, #tpu.memory_space<vmem>>
        %dma_start3A_177 = tpu.memref_squeeze %dma_start3A_176 : memref<1x80xi32, #tpu.memory_space<vmem>> -> memref<80xi32, #tpu.memory_space<vmem>>
        %dma_start3A_178 = arith.constant 0 : i32
        %dma_start3A_179 = tpu.memref_slice %arg4[%add3A_174, %dma_start3A_178] : memref<4096x80xi32, #tpu.memory_space<hbm>> -> memref<1x80xi32, #tpu.memory_space<hbm>>
        %dma_start3A_180 = tpu.memref_squeeze %dma_start3A_179 : memref<1x80xi32, #tpu.memory_space<hbm>> -> memref<80xi32, #tpu.memory_space<hbm>>
        %dma_start3A_181 = tpu.memref_slice %arg19[%rem3A_88] : memref<2x!tpu.dma_semaphore, #tpu.memory_space<semaphore_mem>> -> memref<1x!tpu.dma_semaphore, #tpu.memory_space<semaphore_mem>>
        %dma_start3A_182 = tpu.memref_squeeze %dma_start3A_181 : memref<1x!tpu.dma_semaphore, #tpu.memory_space<semaphore_mem>> -> memref<!tpu.dma_semaphore, #tpu.memory_space<semaphore_mem>>
        %dma_start3A_183 = arith.constant 0 : i32
        %dma_start3A_184 = tpu.memref_slice %arg10[%rem3A_102, %dma_start3A_183] : memref<4x80xi32, #tpu.memory_space<vmem>> -> memref<1x80xi32, #tpu.memory_space<vmem>>
        %dma_start3A_185 = tpu.memref_squeeze %dma_start3A_184 : memref<1x80xi32, #tpu.memory_space<vmem>> -> memref<80xi32, #tpu.memory_space<vmem>>
        %dma_start3A_186 = arith.constant 0 : i32
        %dma_start3A_187 = tpu.memref_slice %arg4[%add3A_174, %dma_start3A_186] : memref<4096x80xi32, #tpu.memory_space<hbm>> -> memref<1x80xi32, #tpu.memory_space<hbm>>
        %dma_start3A_188 = tpu.memref_squeeze %dma_start3A_187 : memref<1x80xi32, #tpu.memory_space<hbm>> -> memref<80xi32, #tpu.memory_space<hbm>>
        tpu.enqueue_dma source(%dma_start3A_188 : memref<80xi32, #tpu.memory_space<hbm>>) target(%dma_start3A_185 : memref<80xi32, #tpu.memory_space<vmem>>) target_semaphore(%dma_start3A_182 : memref<!tpu.dma_semaphore, #tpu.memory_space<semaphore_mem>>)
        %add3A_189 = arith.addi %mul3A_2, %scan3A_87 : i32
        %add3A_190 = arith.constant 2 : i32
        %add3A_191 = arith.addi %add3A_189, %add3A_190 : i32
        %dma_start3A_192 = arith.constant 0 : i32
        %dma_start3A_193 = tpu.memref_slice %arg11[%rem3A_102, %dma_start3A_192] : memref<4x80xi32, #tpu.memory_space<vmem>> -> memref<1x80xi32, #tpu.memory_space<vmem>>
        %dma_start3A_194 = tpu.memref_squeeze %dma_start3A_193 : memref<1x80xi32, #tpu.memory_space<vmem>> -> memref<80xi32, #tpu.memory_space<vmem>>
        %dma_start3A_195 = arith.constant 0 : i32
        %dma_start3A_196 = tpu.memref_slice %arg5[%add3A_191, %dma_start3A_195] : memref<4096x80xi32, #tpu.memory_space<hbm>> -> memref<1x80xi32, #tpu.memory_space<hbm>>
        %dma_start3A_197 = tpu.memref_squeeze %dma_start3A_196 : memref<1x80xi32, #tpu.memory_space<hbm>> -> memref<80xi32, #tpu.memory_space<hbm>>
        %dma_start3A_198 = tpu.memref_slice %arg19[%rem3A_88] : memref<2x!tpu.dma_semaphore, #tpu.memory_space<semaphore_mem>> -> memref<1x!tpu.dma_semaphore, #tpu.memory_space<semaphore_mem>>
        %dma_start3A_199 = tpu.memref_squeeze %dma_start3A_198 : memref<1x!tpu.dma_semaphore, #tpu.memory_space<semaphore_mem>> -> memref<!tpu.dma_semaphore, #tpu.memory_space<semaphore_mem>>
        %dma_start3A_200 = arith.constant 0 : i32
        %dma_start3A_201 = tpu.memref_slice %arg11[%rem3A_102, %dma_start3A_200] : memref<4x80xi32, #tpu.memory_space<vmem>> -> memref<1x80xi32, #tpu.memory_space<vmem>>
        %dma_start3A_202 = tpu.memref_squeeze %dma_start3A_201 : memref<1x80xi32, #tpu.memory_space<vmem>> -> memref<80xi32, #tpu.memory_space<vmem>>
        %dma_start3A_203 = arith.constant 0 : i32
        %dma_start3A_204 = tpu.memref_slice %arg5[%add3A_191, %dma_start3A_203] : memref<4096x80xi32, #tpu.memory_space<hbm>> -> memref<1x80xi32, #tpu.memory_space<hbm>>
        %dma_start3A_205 = tpu.memref_squeeze %dma_start3A_204 : memref<1x80xi32, #tpu.memory_space<hbm>> -> memref<80xi32, #tpu.memory_space<hbm>>
        tpu.enqueue_dma source(%dma_start3A_205 : memref<80xi32, #tpu.memory_space<hbm>>) target(%dma_start3A_202 : memref<80xi32, #tpu.memory_space<vmem>>) target_semaphore(%dma_start3A_199 : memref<!tpu.dma_semaphore, #tpu.memory_space<semaphore_mem>>)
      } else {
      }
      %scan3A_154 = arith.constant 0 : i32
      %scan3A_155 = arith.constant 0 : i32
      %scan3A_156 = arith.constant 20 : i32
      %scan3A_157 = arith.addi %scan3A_155, %scan3A_156 : i32
      %scan3A_158 = arith.constant 1 : i32
      scf.for %scan3A_172 = %scan3A_155 to %scan3A_157 step %scan3A_158  : i32 {
        %mul3A_173 = arith.constant 4 : i32
        %mul3A_174 = arith.muli %scan3A_172, %mul3A_173 : i32
        %add3A_175 = arith.constant 0 : i32
        %add3A_176 = arith.addi %mul3A_174, %add3A_175 : i32
        %get3A_177 = arith.index_cast %rem3A_88 : i32 to index
        %get3A_178 = arith.index_cast %add3A_176 : i32 to index
        %get3A_179 = arith.constant 0 : index
        %get3A_180 = tpu.vector_load %arg12[%get3A_177, %get3A_178, %get3A_179] {strides = array<i32>} : memref<2x80x16xf32, #tpu.memory_space<vmem>>, vector<16xf32>,
        %get3A_181 = arith.index_cast %rem3A_88 : i32 to index
        %get3A_182 = arith.index_cast %add3A_176 : i32 to index
        %get3A_183 = arith.constant 128 : index
        %get3A_184 = tpu.vector_load %arg13[%get3A_181, %get3A_182, %get3A_183] {strides = array<i32>} : memref<2x80x144xf32, #tpu.memory_space<vmem>>, vector<16xf32>,
        %add3A_185 = arith.addf %get3A_180, %get3A_184 : vector<16xf32>
        %mul3A_186 = arith.constant 0.00999999977 : f32
        %mul3A_187 = vector.broadcast %mul3A_186 : f32 to vector<16xf32>
        %mul3A_188 = arith.mulf %mul3A_187, %add3A_185 : vector<16xf32>
        %max3A_189 = arith.maximumf %add3A_185, %mul3A_188 : vector<16xf32>
        %sub3A = arith.subf %max3A_189, %max3A : vector<16xf32>
        %exp3A = math.exp %sub3A : vector<16xf32>
        %slice3A = vector.extract_strided_slice %exp3A {offsets = [0], sizes = [1], strides = [1]} : vector<16xf32> to vector<1xf32>
        %squeeze3A = vector.extract %slice3A[0] : f32 from vector<1xf32>
        %broadcast_in_dim3A_190 = vector.broadcast %squeeze3A : f32 to vector<16xf32>
        %get3A_191 = arith.index_cast %rem3A_88 : i32 to index
        %get3A_192 = arith.index_cast %add3A_176 : i32 to index
        %get3A_193 = arith.constant 0 : index
        %get3A_194 = tpu.vector_load %arg13[%get3A_191, %get3A_192, %get3A_193] {strides = array<i32>} : memref<2x80x144xf32, #tpu.memory_space<vmem>>, vector<16xf32>,
        %mul3A_195 = arith.mulf %get3A_194, %broadcast_in_dim3A_190 : vector<16xf32>
        %swap3A = arith.index_cast %rem3A_88 : i32 to index
        %swap3A_196 = arith.index_cast %add3A_176 : i32 to index
        %swap3A_197 = arith.constant 0 : index
        %swap3A_198 = tpu.vector_load %arg13[%swap3A, %swap3A_196, %swap3A_197] {strides = array<i32>} : memref<2x80x144xf32, #tpu.memory_space<vmem>>, vector<16xf32>,
        tpu.vector_store %arg13[%swap3A, %swap3A_196, %swap3A_197], %mul3A_195 {strides = array<i32>} : memref<2x80x144xf32, #tpu.memory_space<vmem>>, vector<16xf32>,
        %get3A_199 = arith.index_cast %rem3A_88 : i32 to index
        %get3A_200 = arith.index_cast %add3A_176 : i32 to index
        %get3A_201 = arith.constant 16 : index
        %get3A_202 = tpu.vector_load %arg13[%get3A_199, %get3A_200, %get3A_201] {strides = array<i32>} : memref<2x80x144xf32, #tpu.memory_space<vmem>>, vector<16xf32>,
        %mul3A_203 = arith.mulf %get3A_202, %broadcast_in_dim3A_190 : vector<16xf32>
        %swap3A_204 = arith.index_cast %rem3A_88 : i32 to index
        %swap3A_205 = arith.index_cast %add3A_176 : i32 to index
        %swap3A_206 = arith.constant 16 : index
        %swap3A_207 = tpu.vector_load %arg13[%swap3A_204, %swap3A_205, %swap3A_206] {strides = array<i32>} : memref<2x80x144xf32, #tpu.memory_space<vmem>>, vector<16xf32>,
        tpu.vector_store %arg13[%swap3A_204, %swap3A_205, %swap3A_206], %mul3A_203 {strides = array<i32>} : memref<2x80x144xf32, #tpu.memory_space<vmem>>, vector<16xf32>,
        %slice3A_208 = vector.extract_strided_slice %exp3A {offsets = [1], sizes = [1], strides = [1]} : vector<16xf32> to vector<1xf32>
        %squeeze3A_209 = vector.extract %slice3A_208[0] : f32 from vector<1xf32>
        %broadcast_in_dim3A_210 = vector.broadcast %squeeze3A_209 : f32 to vector<16xf32>
        %get3A_211 = arith.index_cast %rem3A_88 : i32 to index
        %get3A_212 = arith.index_cast %add3A_176 : i32 to index
        %get3A_213 = arith.constant 32 : index
        %get3A_214 = tpu.vector_load %arg13[%get3A_211, %get3A_212, %get3A_213] {strides = array<i32>} : memref<2x80x144xf32, #tpu.memory_space<vmem>>, vector<16xf32>,
        %mul3A_215 = arith.mulf %get3A_214, %broadcast_in_dim3A_210 : vector<16xf32>
        %swap3A_216 = arith.index_cast %rem3A_88 : i32 to index
        %swap3A_217 = arith.index_cast %add3A_176 : i32 to index
        %swap3A_218 = arith.constant 32 : index
        %swap3A_219 = tpu.vector_load %arg13[%swap3A_216, %swap3A_217, %swap3A_218] {strides = array<i32>} : memref<2x80x144xf32, #tpu.memory_space<vmem>>, vector<16xf32>,
        tpu.vector_store %arg13[%swap3A_216, %swap3A_217, %swap3A_218], %mul3A_215 {strides = array<i32>} : memref<2x80x144xf32, #tpu.memory_space<vmem>>, vector<16xf32>,
        %get3A_220 = arith.index_cast %rem3A_88 : i32 to index
        %get3A_221 = arith.index_cast %add3A_176 : i32 to index
        %get3A_222 = arith.constant 48 : index
        %get3A_223 = tpu.vector_load %arg13[%get3A_220, %get3A_221, %get3A_222] {strides = array<i32>} : memref<2x80x144xf32, #tpu.memory_space<vmem>>, vector<16xf32>,
        %mul3A_224 = arith.mulf %get3A_223, %broadcast_in_dim3A_210 : vector<16xf32>
        %swap3A_225 = arith.index_cast %rem3A_88 : i32 to index
        %swap3A_226 = arith.index_cast %add3A_176 : i32 to index
        %swap3A_227 = arith.constant 48 : index
        %swap3A_228 = tpu.vector_load %arg13[%swap3A_225, %swap3A_226, %swap3A_227] {strides = array<i32>} : memref<2x80x144xf32, #tpu.memory_space<vmem>>, vector<16xf32>,
        tpu.vector_store %arg13[%swap3A_225, %swap3A_226, %swap3A_227], %mul3A_224 {strides = array<i32>} : memref<2x80x144xf32, #tpu.memory_space<vmem>>, vector<16xf32>,
        %slice3A_229 = vector.extract_strided_slice %exp3A {offsets = [2], sizes = [1], strides = [1]} : vector<16xf32> to vector<1xf32>
        %squeeze3A_230 = vector.extract %slice3A_229[0] : f32 from vector<1xf32>
        %broadcast_in_dim3A_231 = vector.broadcast %squeeze3A_230 : f32 to vector<16xf32>
        %get3A_232 = arith.index_cast %rem3A_88 : i32 to index
        %get3A_233 = arith.index_cast %add3A_176 : i32 to index
        %get3A_234 = arith.constant 64 : index
        %get3A_235 = tpu.vector_load %arg13[%get3A_232, %get3A_233, %get3A_234] {strides = array<i32>} : memref<2x80x144xf32, #tpu.memory_space<vmem>>, vector<16xf32>,
        %mul3A_236 = arith.mulf %get3A_235, %broadcast_in_dim3A_231 : vector<16xf32>
        %swap3A_237 = arith.index_cast %rem3A_88 : i32 to index
        %swap3A_238 = arith.index_cast %add3A_176 : i32 to index
        %swap3A_239 = arith.constant 64 : index
        %swap3A_240 = tpu.vector_load %arg13[%swap3A_237, %swap3A_238, %swap3A_239] {strides = array<i32>} : memref<2x80x144xf32, #tpu.memory_space<vmem>>, vector<16xf32>,
        tpu.vector_store %arg13[%swap3A_237, %swap3A_238, %swap3A_239], %mul3A_236 {strides = array<i32>} : memref<2x80x144xf32, #tpu.memory_space<vmem>>, vector<16xf32>,
        %get3A_241 = arith.index_cast %rem3A_88 : i32 to index
        %get3A_242 = arith.index_cast %add3A_176 : i32 to index
        %get3A_243 = arith.constant 80 : index
        %get3A_244 = tpu.vector_load %arg13[%get3A_241, %get3A_242, %get3A_243] {strides = array<i32>} : memref<2x80x144xf32, #tpu.memory_space<vmem>>, vector<16xf32>,
        %mul3A_245 = arith.mulf %get3A_244, %broadcast_in_dim3A_231 : vector<16xf32>
        %swap3A_246 = arith.index_cast %rem3A_88 : i32 to index
        %swap3A_247 = arith.index_cast %add3A_176 : i32 to index
        %swap3A_248 = arith.constant 80 : index
        %swap3A_249 = tpu.vector_load %arg13[%swap3A_246, %swap3A_247, %swap3A_248] {strides = array<i32>} : memref<2x80x144xf32, #tpu.memory_space<vmem>>, vector<16xf32>,
        tpu.vector_store %arg13[%swap3A_246, %swap3A_247, %swap3A_248], %mul3A_245 {strides = array<i32>} : memref<2x80x144xf32, #tpu.memory_space<vmem>>, vector<16xf32>,
        %slice3A_250 = vector.extract_strided_slice %exp3A {offsets = [3], sizes = [1], strides = [1]} : vector<16xf32> to vector<1xf32>
        %squeeze3A_251 = vector.extract %slice3A_250[0] : f32 from vector<1xf32>
        %broadcast_in_dim3A_252 = vector.broadcast %squeeze3A_251 : f32 to vector<16xf32>
        %get3A_253 = arith.index_cast %rem3A_88 : i32 to index
        %get3A_254 = arith.index_cast %add3A_176 : i32 to index
        %get3A_255 = arith.constant 96 : index
        %get3A_256 = tpu.vector_load %arg13[%get3A_253, %get3A_254, %get3A_255] {strides = array<i32>} : memref<2x80x144xf32, #tpu.memory_space<vmem>>, vector<16xf32>,
        %mul3A_257 = arith.mulf %get3A_256, %broadcast_in_dim3A_252 : vector<16xf32>
        %swap3A_258 = arith.index_cast %rem3A_88 : i32 to index
        %swap3A_259 = arith.index_cast %add3A_176 : i32 to index
        %swap3A_260 = arith.constant 96 : index
        %swap3A_261 = tpu.vector_load %arg13[%swap3A_258, %swap3A_259, %swap3A_260] {strides = array<i32>} : memref<2x80x144xf32, #tpu.memory_space<vmem>>, vector<16xf32>,
        tpu.vector_store %arg13[%swap3A_258, %swap3A_259, %swap3A_260], %mul3A_257 {strides = array<i32>} : memref<2x80x144xf32, #tpu.memory_space<vmem>>, vector<16xf32>,
        %get3A_262 = arith.index_cast %rem3A_88 : i32 to index
        %get3A_263 = arith.index_cast %add3A_176 : i32 to index
        %get3A_264 = arith.constant 112 : index
        %get3A_265 = tpu.vector_load %arg13[%get3A_262, %get3A_263, %get3A_264] {strides = array<i32>} : memref<2x80x144xf32, #tpu.memory_space<vmem>>, vector<16xf32>,
        %mul3A_266 = arith.mulf %get3A_265, %broadcast_in_dim3A_252 : vector<16xf32>
        %swap3A_267 = arith.index_cast %rem3A_88 : i32 to index
        %swap3A_268 = arith.index_cast %add3A_176 : i32 to index
        %swap3A_269 = arith.constant 112 : index
        %swap3A_270 = tpu.vector_load %arg13[%swap3A_267, %swap3A_268, %swap3A_269] {strides = array<i32>} : memref<2x80x144xf32, #tpu.memory_space<vmem>>, vector<16xf32>,
        tpu.vector_store %arg13[%swap3A_267, %swap3A_268, %swap3A_269], %mul3A_266 {strides = array<i32>} : memref<2x80x144xf32, #tpu.memory_space<vmem>>, vector<16xf32>,
        %mul3A_271 = arith.mulf %exp3A, %select_n3A : vector<16xf32>
        %swap3A_272 = arith.index_cast %rem3A_88 : i32 to index
        %swap3A_273 = arith.index_cast %add3A_176 : i32 to index
        %swap3A_274 = arith.constant 128 : index
        %swap3A_275 = tpu.vector_load %arg13[%swap3A_272, %swap3A_273, %swap3A_274] {strides = array<i32>} : memref<2x80x144xf32, #tpu.memory_space<vmem>>, vector<16xf32>,
        tpu.vector_store %arg13[%swap3A_272, %swap3A_273, %swap3A_274], %mul3A_271 {strides = array<i32>} : memref<2x80x144xf32, #tpu.memory_space<vmem>>, vector<16xf32>,
        %mul3A_276 = arith.constant 4 : i32
        %mul3A_277 = arith.muli %scan3A_172, %mul3A_276 : i32
        %add3A_278 = arith.constant 1 : i32
        %add3A_279 = arith.addi %mul3A_277, %add3A_278 : i32
        %get3A_280 = arith.index_cast %rem3A_88 : i32 to index
        %get3A_281 = arith.index_cast %add3A_279 : i32 to index
        %get3A_282 = arith.constant 0 : index
        %get3A_283 = tpu.vector_load %arg12[%get3A_280, %get3A_281, %get3A_282] {strides = array<i32>} : memref<2x80x16xf32, #tpu.memory_space<vmem>>, vector<16xf32>,
        %get3A_284 = arith.index_cast %rem3A_88 : i32 to index
        %get3A_285 = arith.index_cast %add3A_279 : i32 to index
        %get3A_286 = arith.constant 128 : index
        %get3A_287 = tpu.vector_load %arg13[%get3A_284, %get3A_285, %get3A_286] {strides = array<i32>} : memref<2x80x144xf32, #tpu.memory_space<vmem>>, vector<16xf32>,
        %add3A_288 = arith.addf %get3A_283, %get3A_287 : vector<16xf32>
        %mul3A_289 = arith.constant 0.00999999977 : f32
        %mul3A_290 = vector.broadcast %mul3A_289 : f32 to vector<16xf32>
        %mul3A_291 = arith.mulf %mul3A_290, %add3A_288 : vector<16xf32>
        %max3A_292 = arith.maximumf %add3A_288, %mul3A_291 : vector<16xf32>
        %sub3A_293 = arith.subf %max3A_292, %max3A : vector<16xf32>
        %exp3A_294 = math.exp %sub3A_293 : vector<16xf32>
        %slice3A_295 = vector.extract_strided_slice %exp3A_294 {offsets = [0], sizes = [1], strides = [1]} : vector<16xf32> to vector<1xf32>
        %squeeze3A_296 = vector.extract %slice3A_295[0] : f32 from vector<1xf32>
        %broadcast_in_dim3A_297 = vector.broadcast %squeeze3A_296 : f32 to vector<16xf32>
        %get3A_298 = arith.index_cast %rem3A_88 : i32 to index
        %get3A_299 = arith.index_cast %add3A_279 : i32 to index
        %get3A_300 = arith.constant 0 : index
        %get3A_301 = tpu.vector_load %arg13[%get3A_298, %get3A_299, %get3A_300] {strides = array<i32>} : memref<2x80x144xf32, #tpu.memory_space<vmem>>, vector<16xf32>,
        %mul3A_302 = arith.mulf %get3A_301, %broadcast_in_dim3A_297 : vector<16xf32>
        %swap3A_303 = arith.index_cast %rem3A_88 : i32 to index
        %swap3A_304 = arith.index_cast %add3A_279 : i32 to index
        %swap3A_305 = arith.constant 0 : index
        %swap3A_306 = tpu.vector_load %arg13[%swap3A_303, %swap3A_304, %swap3A_305] {strides = array<i32>} : memref<2x80x144xf32, #tpu.memory_space<vmem>>, vector<16xf32>,
        tpu.vector_store %arg13[%swap3A_303, %swap3A_304, %swap3A_305], %mul3A_302 {strides = array<i32>} : memref<2x80x144xf32, #tpu.memory_space<vmem>>, vector<16xf32>,
        %get3A_307 = arith.index_cast %rem3A_88 : i32 to index
        %get3A_308 = arith.index_cast %add3A_279 : i32 to index
        %get3A_309 = arith.constant 16 : index
        %get3A_310 = tpu.vector_load %arg13[%get3A_307, %get3A_308, %get3A_309] {strides = array<i32>} : memref<2x80x144xf32, #tpu.memory_space<vmem>>, vector<16xf32>,
        %mul3A_311 = arith.mulf %get3A_310, %broadcast_in_dim3A_297 : vector<16xf32>
        %swap3A_312 = arith.index_cast %rem3A_88 : i32 to index
        %swap3A_313 = arith.index_cast %add3A_279 : i32 to index
        %swap3A_314 = arith.constant 16 : index
        %swap3A_315 = tpu.vector_load %arg13[%swap3A_312, %swap3A_313, %swap3A_314] {strides = array<i32>} : memref<2x80x144xf32, #tpu.memory_space<vmem>>, vector<16xf32>,
        tpu.vector_store %arg13[%swap3A_312, %swap3A_313, %swap3A_314], %mul3A_311 {strides = array<i32>} : memref<2x80x144xf32, #tpu.memory_space<vmem>>, vector<16xf32>,
        %slice3A_316 = vector.extract_strided_slice %exp3A_294 {offsets = [1], sizes = [1], strides = [1]} : vector<16xf32> to vector<1xf32>
        %squeeze3A_317 = vector.extract %slice3A_316[0] : f32 from vector<1xf32>
        %broadcast_in_dim3A_318 = vector.broadcast %squeeze3A_317 : f32 to vector<16xf32>
        %get3A_319 = arith.index_cast %rem3A_88 : i32 to index
        %get3A_320 = arith.index_cast %add3A_279 : i32 to index
        %get3A_321 = arith.constant 32 : index
        %get3A_322 = tpu.vector_load %arg13[%get3A_319, %get3A_320, %get3A_321] {strides = array<i32>} : memref<2x80x144xf32, #tpu.memory_space<vmem>>, vector<16xf32>,
        %mul3A_323 = arith.mulf %get3A_322, %broadcast_in_dim3A_318 : vector<16xf32>
        %swap3A_324 = arith.index_cast %rem3A_88 : i32 to index
        %swap3A_325 = arith.index_cast %add3A_279 : i32 to index
        %swap3A_326 = arith.constant 32 : index
        %swap3A_327 = tpu.vector_load %arg13[%swap3A_324, %swap3A_325, %swap3A_326] {strides = array<i32>} : memref<2x80x144xf32, #tpu.memory_space<vmem>>, vector<16xf32>,
        tpu.vector_store %arg13[%swap3A_324, %swap3A_325, %swap3A_326], %mul3A_323 {strides = array<i32>} : memref<2x80x144xf32, #tpu.memory_space<vmem>>, vector<16xf32>,
        %get3A_328 = arith.index_cast %rem3A_88 : i32 to index
        %get3A_329 = arith.index_cast %add3A_279 : i32 to index
        %get3A_330 = arith.constant 48 : index
        %get3A_331 = tpu.vector_load %arg13[%get3A_328, %get3A_329, %get3A_330] {strides = array<i32>} : memref<2x80x144xf32, #tpu.memory_space<vmem>>, vector<16xf32>,
        %mul3A_332 = arith.mulf %get3A_331, %broadcast_in_dim3A_318 : vector<16xf32>
        %swap3A_333 = arith.index_cast %rem3A_88 : i32 to index
        %swap3A_334 = arith.index_cast %add3A_279 : i32 to index
        %swap3A_335 = arith.constant 48 : index
        %swap3A_336 = tpu.vector_load %arg13[%swap3A_333, %swap3A_334, %swap3A_335] {strides = array<i32>} : memref<2x80x144xf32, #tpu.memory_space<vmem>>, vector<16xf32>,
        tpu.vector_store %arg13[%swap3A_333, %swap3A_334, %swap3A_335], %mul3A_332 {strides = array<i32>} : memref<2x80x144xf32, #tpu.memory_space<vmem>>, vector<16xf32>,
        %slice3A_337 = vector.extract_strided_slice %exp3A_294 {offsets = [2], sizes = [1], strides = [1]} : vector<16xf32> to vector<1xf32>
        %squeeze3A_338 = vector.extract %slice3A_337[0] : f32 from vector<1xf32>
        %broadcast_in_dim3A_339 = vector.broadcast %squeeze3A_338 : f32 to vector<16xf32>
        %get3A_340 = arith.index_cast %rem3A_88 : i32 to index
        %get3A_341 = arith.index_cast %add3A_279 : i32 to index
        %get3A_342 = arith.constant 64 : index
        %get3A_343 = tpu.vector_load %arg13[%get3A_340, %get3A_341, %get3A_342] {strides = array<i32>} : memref<2x80x144xf32, #tpu.memory_space<vmem>>, vector<16xf32>,
        %mul3A_344 = arith.mulf %get3A_343, %broadcast_in_dim3A_339 : vector<16xf32>
        %swap3A_345 = arith.index_cast %rem3A_88 : i32 to index
        %swap3A_346 = arith.index_cast %add3A_279 : i32 to index
        %swap3A_347 = arith.constant 64 : index
        %swap3A_348 = tpu.vector_load %arg13[%swap3A_345, %swap3A_346, %swap3A_347] {strides = array<i32>} : memref<2x80x144xf32, #tpu.memory_space<vmem>>, vector<16xf32>,
        tpu.vector_store %arg13[%swap3A_345, %swap3A_346, %swap3A_347], %mul3A_344 {strides = array<i32>} : memref<2x80x144xf32, #tpu.memory_space<vmem>>, vector<16xf32>,
        %get3A_349 = arith.index_cast %rem3A_88 : i32 to index
        %get3A_350 = arith.index_cast %add3A_279 : i32 to index
        %get3A_351 = arith.constant 80 : index
        %get3A_352 = tpu.vector_load %arg13[%get3A_349, %get3A_350, %get3A_351] {strides = array<i32>} : memref<2x80x144xf32, #tpu.memory_space<vmem>>, vector<16xf32>,
        %mul3A_353 = arith.mulf %get3A_352, %broadcast_in_dim3A_339 : vector<16xf32>
        %swap3A_354 = arith.index_cast %rem3A_88 : i32 to index
        %swap3A_355 = arith.index_cast %add3A_279 : i32 to index
        %swap3A_356 = arith.constant 80 : index
        %swap3A_357 = tpu.vector_load %arg13[%swap3A_354, %swap3A_355, %swap3A_356] {strides = array<i32>} : memref<2x80x144xf32, #tpu.memory_space<vmem>>, vector<16xf32>,
        tpu.vector_store %arg13[%swap3A_354, %swap3A_355, %swap3A_356], %mul3A_353 {strides = array<i32>} : memref<2x80x144xf32, #tpu.memory_space<vmem>>, vector<16xf32>,
        %slice3A_358 = vector.extract_strided_slice %exp3A_294 {offsets = [3], sizes = [1], strides = [1]} : vector<16xf32> to vector<1xf32>
        %squeeze3A_359 = vector.extract %slice3A_358[0] : f32 from vector<1xf32>
        %broadcast_in_dim3A_360 = vector.broadcast %squeeze3A_359 : f32 to vector<16xf32>
        %get3A_361 = arith.index_cast %rem3A_88 : i32 to index
        %get3A_362 = arith.index_cast %add3A_279 : i32 to index
        %get3A_363 = arith.constant 96 : index
        %get3A_364 = tpu.vector_load %arg13[%get3A_361, %get3A_362, %get3A_363] {strides = array<i32>} : memref<2x80x144xf32, #tpu.memory_space<vmem>>, vector<16xf32>,
        %mul3A_365 = arith.mulf %get3A_364, %broadcast_in_dim3A_360 : vector<16xf32>
        %swap3A_366 = arith.index_cast %rem3A_88 : i32 to index
        %swap3A_367 = arith.index_cast %add3A_279 : i32 to index
        %swap3A_368 = arith.constant 96 : index
        %swap3A_369 = tpu.vector_load %arg13[%swap3A_366, %swap3A_367, %swap3A_368] {strides = array<i32>} : memref<2x80x144xf32, #tpu.memory_space<vmem>>, vector<16xf32>,
        tpu.vector_store %arg13[%swap3A_366, %swap3A_367, %swap3A_368], %mul3A_365 {strides = array<i32>} : memref<2x80x144xf32, #tpu.memory_space<vmem>>, vector<16xf32>,
        %get3A_370 = arith.index_cast %rem3A_88 : i32 to index
        %get3A_371 = arith.index_cast %add3A_279 : i32 to index
        %get3A_372 = arith.constant 112 : index
        %get3A_373 = tpu.vector_load %arg13[%get3A_370, %get3A_371, %get3A_372] {strides = array<i32>} : memref<2x80x144xf32, #tpu.memory_space<vmem>>, vector<16xf32>,
        %mul3A_374 = arith.mulf %get3A_373, %broadcast_in_dim3A_360 : vector<16xf32>
        %swap3A_375 = arith.index_cast %rem3A_88 : i32 to index
        %swap3A_376 = arith.index_cast %add3A_279 : i32 to index
        %swap3A_377 = arith.constant 112 : index
        %swap3A_378 = tpu.vector_load %arg13[%swap3A_375, %swap3A_376, %swap3A_377] {strides = array<i32>} : memref<2x80x144xf32, #tpu.memory_space<vmem>>, vector<16xf32>,
        tpu.vector_store %arg13[%swap3A_375, %swap3A_376, %swap3A_377], %mul3A_374 {strides = array<i32>} : memref<2x80x144xf32, #tpu.memory_space<vmem>>, vector<16xf32>,
        %mul3A_379 = arith.mulf %exp3A_294, %select_n3A : vector<16xf32>
        %swap3A_380 = arith.index_cast %rem3A_88 : i32 to index
        %swap3A_381 = arith.index_cast %add3A_279 : i32 to index
        %swap3A_382 = arith.constant 128 : index
        %swap3A_383 = tpu.vector_load %arg13[%swap3A_380, %swap3A_381, %swap3A_382] {strides = array<i32>} : memref<2x80x144xf32, #tpu.memory_space<vmem>>, vector<16xf32>,
        tpu.vector_store %arg13[%swap3A_380, %swap3A_381, %swap3A_382], %mul3A_379 {strides = array<i32>} : memref<2x80x144xf32, #tpu.memory_space<vmem>>, vector<16xf32>,
        %mul3A_384 = arith.constant 4 : i32
        %mul3A_385 = arith.muli %scan3A_172, %mul3A_384 : i32
        %add3A_386 = arith.constant 2 : i32
        %add3A_387 = arith.addi %mul3A_385, %add3A_386 : i32
        %get3A_388 = arith.index_cast %rem3A_88 : i32 to index
        %get3A_389 = arith.index_cast %add3A_387 : i32 to index
        %get3A_390 = arith.constant 0 : index
        %get3A_391 = tpu.vector_load %arg12[%get3A_388, %get3A_389, %get3A_390] {strides = array<i32>} : memref<2x80x16xf32, #tpu.memory_space<vmem>>, vector<16xf32>,
        %get3A_392 = arith.index_cast %rem3A_88 : i32 to index
        %get3A_393 = arith.index_cast %add3A_387 : i32 to index
        %get3A_394 = arith.constant 128 : index
        %get3A_395 = tpu.vector_load %arg13[%get3A_392, %get3A_393, %get3A_394] {strides = array<i32>} : memref<2x80x144xf32, #tpu.memory_space<vmem>>, vector<16xf32>,
        %add3A_396 = arith.addf %get3A_391, %get3A_395 : vector<16xf32>
        %mul3A_397 = arith.constant 0.00999999977 : f32
        %mul3A_398 = vector.broadcast %mul3A_397 : f32 to vector<16xf32>
        %mul3A_399 = arith.mulf %mul3A_398, %add3A_396 : vector<16xf32>
        %max3A_400 = arith.maximumf %add3A_396, %mul3A_399 : vector<16xf32>
        %sub3A_401 = arith.subf %max3A_400, %max3A : vector<16xf32>
        %exp3A_402 = math.exp %sub3A_401 : vector<16xf32>
        %slice3A_403 = vector.extract_strided_slice %exp3A_402 {offsets = [0], sizes = [1], strides = [1]} : vector<16xf32> to vector<1xf32>
        %squeeze3A_404 = vector.extract %slice3A_403[0] : f32 from vector<1xf32>
        %broadcast_in_dim3A_405 = vector.broadcast %squeeze3A_404 : f32 to vector<16xf32>
        %get3A_406 = arith.index_cast %rem3A_88 : i32 to index
        %get3A_407 = arith.index_cast %add3A_387 : i32 to index
        %get3A_408 = arith.constant 0 : index
        %get3A_409 = tpu.vector_load %arg13[%get3A_406, %get3A_407, %get3A_408] {strides = array<i32>} : memref<2x80x144xf32, #tpu.memory_space<vmem>>, vector<16xf32>,
        %mul3A_410 = arith.mulf %get3A_409, %broadcast_in_dim3A_405 : vector<16xf32>
        %swap3A_411 = arith.index_cast %rem3A_88 : i32 to index
        %swap3A_412 = arith.index_cast %add3A_387 : i32 to index
        %swap3A_413 = arith.constant 0 : index
        %swap3A_414 = tpu.vector_load %arg13[%swap3A_411, %swap3A_412, %swap3A_413] {strides = array<i32>} : memref<2x80x144xf32, #tpu.memory_space<vmem>>, vector<16xf32>,
        tpu.vector_store %arg13[%swap3A_411, %swap3A_412, %swap3A_413], %mul3A_410 {strides = array<i32>} : memref<2x80x144xf32, #tpu.memory_space<vmem>>, vector<16xf32>,
        %get3A_415 = arith.index_cast %rem3A_88 : i32 to index
        %get3A_416 = arith.index_cast %add3A_387 : i32 to index
        %get3A_417 = arith.constant 16 : index
        %get3A_418 = tpu.vector_load %arg13[%get3A_415, %get3A_416, %get3A_417] {strides = array<i32>} : memref<2x80x144xf32, #tpu.memory_space<vmem>>, vector<16xf32>,
        %mul3A_419 = arith.mulf %get3A_418, %broadcast_in_dim3A_405 : vector<16xf32>
        %swap3A_420 = arith.index_cast %rem3A_88 : i32 to index
        %swap3A_421 = arith.index_cast %add3A_387 : i32 to index
        %swap3A_422 = arith.constant 16 : index
        %swap3A_423 = tpu.vector_load %arg13[%swap3A_420, %swap3A_421, %swap3A_422] {strides = array<i32>} : memref<2x80x144xf32, #tpu.memory_space<vmem>>, vector<16xf32>,
        tpu.vector_store %arg13[%swap3A_420, %swap3A_421, %swap3A_422], %mul3A_419 {strides = array<i32>} : memref<2x80x144xf32, #tpu.memory_space<vmem>>, vector<16xf32>,
        %slice3A_424 = vector.extract_strided_slice %exp3A_402 {offsets = [1], sizes = [1], strides = [1]} : vector<16xf32> to vector<1xf32>
        %squeeze3A_425 = vector.extract %slice3A_424[0] : f32 from vector<1xf32>
        %broadcast_in_dim3A_426 = vector.broadcast %squeeze3A_425 : f32 to vector<16xf32>
        %get3A_427 = arith.index_cast %rem3A_88 : i32 to index
        %get3A_428 = arith.index_cast %add3A_387 : i32 to index
        %get3A_429 = arith.constant 32 : index
        %get3A_430 = tpu.vector_load %arg13[%get3A_427, %get3A_428, %get3A_429] {strides = array<i32>} : memref<2x80x144xf32, #tpu.memory_space<vmem>>, vector<16xf32>,
        %mul3A_431 = arith.mulf %get3A_430, %broadcast_in_dim3A_426 : vector<16xf32>
        %swap3A_432 = arith.index_cast %rem3A_88 : i32 to index
        %swap3A_433 = arith.index_cast %add3A_387 : i32 to index
        %swap3A_434 = arith.constant 32 : index
        %swap3A_435 = tpu.vector_load %arg13[%swap3A_432, %swap3A_433, %swap3A_434] {strides = array<i32>} : memref<2x80x144xf32, #tpu.memory_space<vmem>>, vector<16xf32>,
        tpu.vector_store %arg13[%swap3A_432, %swap3A_433, %swap3A_434], %mul3A_431 {strides = array<i32>} : memref<2x80x144xf32, #tpu.memory_space<vmem>>, vector<16xf32>,
        %get3A_436 = arith.index_cast %rem3A_88 : i32 to index
        %get3A_437 = arith.index_cast %add3A_387 : i32 to index
        %get3A_438 = arith.constant 48 : index
        %get3A_439 = tpu.vector_load %arg13[%get3A_436, %get3A_437, %get3A_438] {strides = array<i32>} : memref<2x80x144xf32, #tpu.memory_space<vmem>>, vector<16xf32>,
        %mul3A_440 = arith.mulf %get3A_439, %broadcast_in_dim3A_426 : vector<16xf32>
        %swap3A_441 = arith.index_cast %rem3A_88 : i32 to index
        %swap3A_442 = arith.index_cast %add3A_387 : i32 to index
        %swap3A_443 = arith.constant 48 : index
        %swap3A_444 = tpu.vector_load %arg13[%swap3A_441, %swap3A_442, %swap3A_443] {strides = array<i32>} : memref<2x80x144xf32, #tpu.memory_space<vmem>>, vector<16xf32>,
        tpu.vector_store %arg13[%swap3A_441, %swap3A_442, %swap3A_443], %mul3A_440 {strides = array<i32>} : memref<2x80x144xf32, #tpu.memory_space<vmem>>, vector<16xf32>,
        %slice3A_445 = vector.extract_strided_slice %exp3A_402 {offsets = [2], sizes = [1], strides = [1]} : vector<16xf32> to vector<1xf32>
        %squeeze3A_446 = vector.extract %slice3A_445[0] : f32 from vector<1xf32>
        %broadcast_in_dim3A_447 = vector.broadcast %squeeze3A_446 : f32 to vector<16xf32>
        %get3A_448 = arith.index_cast %rem3A_88 : i32 to index
        %get3A_449 = arith.index_cast %add3A_387 : i32 to index
        %get3A_450 = arith.constant 64 : index
        %get3A_451 = tpu.vector_load %arg13[%get3A_448, %get3A_449, %get3A_450] {strides = array<i32>} : memref<2x80x144xf32, #tpu.memory_space<vmem>>, vector<16xf32>,
        %mul3A_452 = arith.mulf %get3A_451, %broadcast_in_dim3A_447 : vector<16xf32>
        %swap3A_453 = arith.index_cast %rem3A_88 : i32 to index
        %swap3A_454 = arith.index_cast %add3A_387 : i32 to index
        %swap3A_455 = arith.constant 64 : index
        %swap3A_456 = tpu.vector_load %arg13[%swap3A_453, %swap3A_454, %swap3A_455] {strides = array<i32>} : memref<2x80x144xf32, #tpu.memory_space<vmem>>, vector<16xf32>,
        tpu.vector_store %arg13[%swap3A_453, %swap3A_454, %swap3A_455], %mul3A_452 {strides = array<i32>} : memref<2x80x144xf32, #tpu.memory_space<vmem>>, vector<16xf32>,
        %get3A_457 = arith.index_cast %rem3A_88 : i32 to index
        %get3A_458 = arith.index_cast %add3A_387 : i32 to index
        %get3A_459 = arith.constant 80 : index
        %get3A_460 = tpu.vector_load %arg13[%get3A_457, %get3A_458, %get3A_459] {strides = array<i32>} : memref<2x80x144xf32, #tpu.memory_space<vmem>>, vector<16xf32>,
        %mul3A_461 = arith.mulf %get3A_460, %broadcast_in_dim3A_447 : vector<16xf32>
        %swap3A_462 = arith.index_cast %rem3A_88 : i32 to index
        %swap3A_463 = arith.index_cast %add3A_387 : i32 to index
        %swap3A_464 = arith.constant 80 : index
        %swap3A_465 = tpu.vector_load %arg13[%swap3A_462, %swap3A_463, %swap3A_464] {strides = array<i32>} : memref<2x80x144xf32, #tpu.memory_space<vmem>>, vector<16xf32>,
        tpu.vector_store %arg13[%swap3A_462, %swap3A_463, %swap3A_464], %mul3A_461 {strides = array<i32>} : memref<2x80x144xf32, #tpu.memory_space<vmem>>, vector<16xf32>,
        %slice3A_466 = vector.extract_strided_slice %exp3A_402 {offsets = [3], sizes = [1], strides = [1]} : vector<16xf32> to vector<1xf32>
        %squeeze3A_467 = vector.extract %slice3A_466[0] : f32 from vector<1xf32>
        %broadcast_in_dim3A_468 = vector.broadcast %squeeze3A_467 : f32 to vector<16xf32>
        %get3A_469 = arith.index_cast %rem3A_88 : i32 to index
        %get3A_470 = arith.index_cast %add3A_387 : i32 to index
        %get3A_471 = arith.constant 96 : index
        %get3A_472 = tpu.vector_load %arg13[%get3A_469, %get3A_470, %get3A_471] {strides = array<i32>} : memref<2x80x144xf32, #tpu.memory_space<vmem>>, vector<16xf32>,
        %mul3A_473 = arith.mulf %get3A_472, %broadcast_in_dim3A_468 : vector<16xf32>
        %swap3A_474 = arith.index_cast %rem3A_88 : i32 to index
        %swap3A_475 = arith.index_cast %add3A_387 : i32 to index
        %swap3A_476 = arith.constant 96 : index
        %swap3A_477 = tpu.vector_load %arg13[%swap3A_474, %swap3A_475, %swap3A_476] {strides = array<i32>} : memref<2x80x144xf32, #tpu.memory_space<vmem>>, vector<16xf32>,
        tpu.vector_store %arg13[%swap3A_474, %swap3A_475, %swap3A_476], %mul3A_473 {strides = array<i32>} : memref<2x80x144xf32, #tpu.memory_space<vmem>>, vector<16xf32>,
        %get3A_478 = arith.index_cast %rem3A_88 : i32 to index
        %get3A_479 = arith.index_cast %add3A_387 : i32 to index
        %get3A_480 = arith.constant 112 : index
        %get3A_481 = tpu.vector_load %arg13[%get3A_478, %get3A_479, %get3A_480] {strides = array<i32>} : memref<2x80x144xf32, #tpu.memory_space<vmem>>, vector<16xf32>,
        %mul3A_482 = arith.mulf %get3A_481, %broadcast_in_dim3A_468 : vector<16xf32>
        %swap3A_483 = arith.index_cast %rem3A_88 : i32 to index
        %swap3A_484 = arith.index_cast %add3A_387 : i32 to index
        %swap3A_485 = arith.constant 112 : index
        %swap3A_486 = tpu.vector_load %arg13[%swap3A_483, %swap3A_484, %swap3A_485] {strides = array<i32>} : memref<2x80x144xf32, #tpu.memory_space<vmem>>, vector<16xf32>,
        tpu.vector_store %arg13[%swap3A_483, %swap3A_484, %swap3A_485], %mul3A_482 {strides = array<i32>} : memref<2x80x144xf32, #tpu.memory_space<vmem>>, vector<16xf32>,
        %mul3A_487 = arith.mulf %exp3A_402, %select_n3A : vector<16xf32>
        %swap3A_488 = arith.index_cast %rem3A_88 : i32 to index
        %swap3A_489 = arith.index_cast %add3A_387 : i32 to index
        %swap3A_490 = arith.constant 128 : index
        %swap3A_491 = tpu.vector_load %arg13[%swap3A_488, %swap3A_489, %swap3A_490] {strides = array<i32>} : memref<2x80x144xf32, #tpu.memory_space<vmem>>, vector<16xf32>,
        tpu.vector_store %arg13[%swap3A_488, %swap3A_489, %swap3A_490], %mul3A_487 {strides = array<i32>} : memref<2x80x144xf32, #tpu.memory_space<vmem>>, vector<16xf32>,
        %mul3A_492 = arith.constant 4 : i32
        %mul3A_493 = arith.muli %scan3A_172, %mul3A_492 : i32
        %add3A_494 = arith.constant 3 : i32
        %add3A_495 = arith.addi %mul3A_493, %add3A_494 : i32
        %get3A_496 = arith.index_cast %rem3A_88 : i32 to index
        %get3A_497 = arith.index_cast %add3A_495 : i32 to index
        %get3A_498 = arith.constant 0 : index
        %get3A_499 = tpu.vector_load %arg12[%get3A_496, %get3A_497, %get3A_498] {strides = array<i32>} : memref<2x80x16xf32, #tpu.memory_space<vmem>>, vector<16xf32>,
        %get3A_500 = arith.index_cast %rem3A_88 : i32 to index
        %get3A_501 = arith.index_cast %add3A_495 : i32 to index
        %get3A_502 = arith.constant 128 : index
        %get3A_503 = tpu.vector_load %arg13[%get3A_500, %get3A_501, %get3A_502] {strides = array<i32>} : memref<2x80x144xf32, #tpu.memory_space<vmem>>, vector<16xf32>,
        %add3A_504 = arith.addf %get3A_499, %get3A_503 : vector<16xf32>
        %mul3A_505 = arith.constant 0.00999999977 : f32
        %mul3A_506 = vector.broadcast %mul3A_505 : f32 to vector<16xf32>
        %mul3A_507 = arith.mulf %mul3A_506, %add3A_504 : vector<16xf32>
        %max3A_508 = arith.maximumf %add3A_504, %mul3A_507 : vector<16xf32>
        %sub3A_509 = arith.subf %max3A_508, %max3A : vector<16xf32>
        %exp3A_510 = math.exp %sub3A_509 : vector<16xf32>
        %slice3A_511 = vector.extract_strided_slice %exp3A_510 {offsets = [0], sizes = [1], strides = [1]} : vector<16xf32> to vector<1xf32>
        %squeeze3A_512 = vector.extract %slice3A_511[0] : f32 from vector<1xf32>
        %broadcast_in_dim3A_513 = vector.broadcast %squeeze3A_512 : f32 to vector<16xf32>
        %get3A_514 = arith.index_cast %rem3A_88 : i32 to index
        %get3A_515 = arith.index_cast %add3A_495 : i32 to index
        %get3A_516 = arith.constant 0 : index
        %get3A_517 = tpu.vector_load %arg13[%get3A_514, %get3A_515, %get3A_516] {strides = array<i32>} : memref<2x80x144xf32, #tpu.memory_space<vmem>>, vector<16xf32>,
        %mul3A_518 = arith.mulf %get3A_517, %broadcast_in_dim3A_513 : vector<16xf32>
        %swap3A_519 = arith.index_cast %rem3A_88 : i32 to index
        %swap3A_520 = arith.index_cast %add3A_495 : i32 to index
        %swap3A_521 = arith.constant 0 : index
        %swap3A_522 = tpu.vector_load %arg13[%swap3A_519, %swap3A_520, %swap3A_521] {strides = array<i32>} : memref<2x80x144xf32, #tpu.memory_space<vmem>>, vector<16xf32>,
        tpu.vector_store %arg13[%swap3A_519, %swap3A_520, %swap3A_521], %mul3A_518 {strides = array<i32>} : memref<2x80x144xf32, #tpu.memory_space<vmem>>, vector<16xf32>,
        %get3A_523 = arith.index_cast %rem3A_88 : i32 to index
        %get3A_524 = arith.index_cast %add3A_495 : i32 to index
        %get3A_525 = arith.constant 16 : index
        %get3A_526 = tpu.vector_load %arg13[%get3A_523, %get3A_524, %get3A_525] {strides = array<i32>} : memref<2x80x144xf32, #tpu.memory_space<vmem>>, vector<16xf32>,
        %mul3A_527 = arith.mulf %get3A_526, %broadcast_in_dim3A_513 : vector<16xf32>
        %swap3A_528 = arith.index_cast %rem3A_88 : i32 to index
        %swap3A_529 = arith.index_cast %add3A_495 : i32 to index
        %swap3A_530 = arith.constant 16 : index
        %swap3A_531 = tpu.vector_load %arg13[%swap3A_528, %swap3A_529, %swap3A_530] {strides = array<i32>} : memref<2x80x144xf32, #tpu.memory_space<vmem>>, vector<16xf32>,
        tpu.vector_store %arg13[%swap3A_528, %swap3A_529, %swap3A_530], %mul3A_527 {strides = array<i32>} : memref<2x80x144xf32, #tpu.memory_space<vmem>>, vector<16xf32>,
        %slice3A_532 = vector.extract_strided_slice %exp3A_510 {offsets = [1], sizes = [1], strides = [1]} : vector<16xf32> to vector<1xf32>
        %squeeze3A_533 = vector.extract %slice3A_532[0] : f32 from vector<1xf32>
        %broadcast_in_dim3A_534 = vector.broadcast %squeeze3A_533 : f32 to vector<16xf32>
        %get3A_535 = arith.index_cast %rem3A_88 : i32 to index
        %get3A_536 = arith.index_cast %add3A_495 : i32 to index
        %get3A_537 = arith.constant 32 : index
        %get3A_538 = tpu.vector_load %arg13[%get3A_535, %get3A_536, %get3A_537] {strides = array<i32>} : memref<2x80x144xf32, #tpu.memory_space<vmem>>, vector<16xf32>,
        %mul3A_539 = arith.mulf %get3A_538, %broadcast_in_dim3A_534 : vector<16xf32>
        %swap3A_540 = arith.index_cast %rem3A_88 : i32 to index
        %swap3A_541 = arith.index_cast %add3A_495 : i32 to index
        %swap3A_542 = arith.constant 32 : index
        %swap3A_543 = tpu.vector_load %arg13[%swap3A_540, %swap3A_541, %swap3A_542] {strides = array<i32>} : memref<2x80x144xf32, #tpu.memory_space<vmem>>, vector<16xf32>,
        tpu.vector_store %arg13[%swap3A_540, %swap3A_541, %swap3A_542], %mul3A_539 {strides = array<i32>} : memref<2x80x144xf32, #tpu.memory_space<vmem>>, vector<16xf32>,
        %get3A_544 = arith.index_cast %rem3A_88 : i32 to index
        %get3A_545 = arith.index_cast %add3A_495 : i32 to index
        %get3A_546 = arith.constant 48 : index
        %get3A_547 = tpu.vector_load %arg13[%get3A_544, %get3A_545, %get3A_546] {strides = array<i32>} : memref<2x80x144xf32, #tpu.memory_space<vmem>>, vector<16xf32>,
        %mul3A_548 = arith.mulf %get3A_547, %broadcast_in_dim3A_534 : vector<16xf32>
        %swap3A_549 = arith.index_cast %rem3A_88 : i32 to index
        %swap3A_550 = arith.index_cast %add3A_495 : i32 to index
        %swap3A_551 = arith.constant 48 : index
        %swap3A_552 = tpu.vector_load %arg13[%swap3A_549, %swap3A_550, %swap3A_551] {strides = array<i32>} : memref<2x80x144xf32, #tpu.memory_space<vmem>>, vector<16xf32>,
        tpu.vector_store %arg13[%swap3A_549, %swap3A_550, %swap3A_551], %mul3A_548 {strides = array<i32>} : memref<2x80x144xf32, #tpu.memory_space<vmem>>, vector<16xf32>,
        %slice3A_553 = vector.extract_strided_slice %exp3A_510 {offsets = [2], sizes = [1], strides = [1]} : vector<16xf32> to vector<1xf32>
        %squeeze3A_554 = vector.extract %slice3A_553[0] : f32 from vector<1xf32>
        %broadcast_in_dim3A_555 = vector.broadcast %squeeze3A_554 : f32 to vector<16xf32>
        %get3A_556 = arith.index_cast %rem3A_88 : i32 to index
        %get3A_557 = arith.index_cast %add3A_495 : i32 to index
        %get3A_558 = arith.constant 64 : index
        %get3A_559 = tpu.vector_load %arg13[%get3A_556, %get3A_557, %get3A_558] {strides = array<i32>} : memref<2x80x144xf32, #tpu.memory_space<vmem>>, vector<16xf32>,
        %mul3A_560 = arith.mulf %get3A_559, %broadcast_in_dim3A_555 : vector<16xf32>
        %swap3A_561 = arith.index_cast %rem3A_88 : i32 to index
        %swap3A_562 = arith.index_cast %add3A_495 : i32 to index
        %swap3A_563 = arith.constant 64 : index
        %swap3A_564 = tpu.vector_load %arg13[%swap3A_561, %swap3A_562, %swap3A_563] {strides = array<i32>} : memref<2x80x144xf32, #tpu.memory_space<vmem>>, vector<16xf32>,
        tpu.vector_store %arg13[%swap3A_561, %swap3A_562, %swap3A_563], %mul3A_560 {strides = array<i32>} : memref<2x80x144xf32, #tpu.memory_space<vmem>>, vector<16xf32>,
        %get3A_565 = arith.index_cast %rem3A_88 : i32 to index
        %get3A_566 = arith.index_cast %add3A_495 : i32 to index
        %get3A_567 = arith.constant 80 : index
        %get3A_568 = tpu.vector_load %arg13[%get3A_565, %get3A_566, %get3A_567] {strides = array<i32>} : memref<2x80x144xf32, #tpu.memory_space<vmem>>, vector<16xf32>,
        %mul3A_569 = arith.mulf %get3A_568, %broadcast_in_dim3A_555 : vector<16xf32>
        %swap3A_570 = arith.index_cast %rem3A_88 : i32 to index
        %swap3A_571 = arith.index_cast %add3A_495 : i32 to index
        %swap3A_572 = arith.constant 80 : index
        %swap3A_573 = tpu.vector_load %arg13[%swap3A_570, %swap3A_571, %swap3A_572] {strides = array<i32>} : memref<2x80x144xf32, #tpu.memory_space<vmem>>, vector<16xf32>,
        tpu.vector_store %arg13[%swap3A_570, %swap3A_571, %swap3A_572], %mul3A_569 {strides = array<i32>} : memref<2x80x144xf32, #tpu.memory_space<vmem>>, vector<16xf32>,
        %slice3A_574 = vector.extract_strided_slice %exp3A_510 {offsets = [3], sizes = [1], strides = [1]} : vector<16xf32> to vector<1xf32>
        %squeeze3A_575 = vector.extract %slice3A_574[0] : f32 from vector<1xf32>
        %broadcast_in_dim3A_576 = vector.broadcast %squeeze3A_575 : f32 to vector<16xf32>
        %get3A_577 = arith.index_cast %rem3A_88 : i32 to index
        %get3A_578 = arith.index_cast %add3A_495 : i32 to index
        %get3A_579 = arith.constant 96 : index
        %get3A_580 = tpu.vector_load %arg13[%get3A_577, %get3A_578, %get3A_579] {strides = array<i32>} : memref<2x80x144xf32, #tpu.memory_space<vmem>>, vector<16xf32>,
        %mul3A_581 = arith.mulf %get3A_580, %broadcast_in_dim3A_576 : vector<16xf32>
        %swap3A_582 = arith.index_cast %rem3A_88 : i32 to index
        %swap3A_583 = arith.index_cast %add3A_495 : i32 to index
        %swap3A_584 = arith.constant 96 : index
        %swap3A_585 = tpu.vector_load %arg13[%swap3A_582, %swap3A_583, %swap3A_584] {strides = array<i32>} : memref<2x80x144xf32, #tpu.memory_space<vmem>>, vector<16xf32>,
        tpu.vector_store %arg13[%swap3A_582, %swap3A_583, %swap3A_584], %mul3A_581 {strides = array<i32>} : memref<2x80x144xf32, #tpu.memory_space<vmem>>, vector<16xf32>,
        %get3A_586 = arith.index_cast %rem3A_88 : i32 to index
        %get3A_587 = arith.index_cast %add3A_495 : i32 to index
        %get3A_588 = arith.constant 112 : index
        %get3A_589 = tpu.vector_load %arg13[%get3A_586, %get3A_587, %get3A_588] {strides = array<i32>} : memref<2x80x144xf32, #tpu.memory_space<vmem>>, vector<16xf32>,
        %mul3A_590 = arith.mulf %get3A_589, %broadcast_in_dim3A_576 : vector<16xf32>
        %swap3A_591 = arith.index_cast %rem3A_88 : i32 to index
        %swap3A_592 = arith.index_cast %add3A_495 : i32 to index
        %swap3A_593 = arith.constant 112 : index
        %swap3A_594 = tpu.vector_load %arg13[%swap3A_591, %swap3A_592, %swap3A_593] {strides = array<i32>} : memref<2x80x144xf32, #tpu.memory_space<vmem>>, vector<16xf32>,
        tpu.vector_store %arg13[%swap3A_591, %swap3A_592, %swap3A_593], %mul3A_590 {strides = array<i32>} : memref<2x80x144xf32, #tpu.memory_space<vmem>>, vector<16xf32>,
        %mul3A_595 = arith.mulf %exp3A_510, %select_n3A : vector<16xf32>
        %swap3A_596 = arith.index_cast %rem3A_88 : i32 to index
        %swap3A_597 = arith.index_cast %add3A_495 : i32 to index
        %swap3A_598 = arith.constant 128 : index
        %swap3A_599 = tpu.vector_load %arg13[%swap3A_596, %swap3A_597, %swap3A_598] {strides = array<i32>} : memref<2x80x144xf32, #tpu.memory_space<vmem>>, vector<16xf32>,
        tpu.vector_store %arg13[%swap3A_596, %swap3A_597, %swap3A_598], %mul3A_595 {strides = array<i32>} : memref<2x80x144xf32, #tpu.memory_space<vmem>>, vector<16xf32>,
      }
      %scan3A_159 = arith.constant 20 : i32
      %dma_start3A_160 = arith.constant 0 : i32
      %dma_start3A_161 = arith.constant 0 : i32
      %dma_start3A_162 = tpu.memref_slice %arg13[%rem3A_88, %dma_start3A_160, %dma_start3A_161] : memref<2x80x144xf32, #tpu.memory_space<vmem>> -> memref<1x80x144xf32, #tpu.memory_space<vmem>>
      %dma_start3A_163 = tpu.memref_squeeze %dma_start3A_162 : memref<1x80x144xf32, #tpu.memory_space<vmem>> -> memref<80x144xf32, #tpu.memory_space<vmem>>
      %dma_start3A_164 = arith.constant 0 : i32
      %dma_start3A_165 = tpu.memref_slice %arg11[%rem3A_94, %dma_start3A_164] : memref<4x80xi32, #tpu.memory_space<vmem>> -> memref<1x80xi32, #tpu.memory_space<vmem>>
      %dma_start3A_166 = tpu.memref_squeeze %dma_start3A_165 : memref<1x80xi32, #tpu.memory_space<vmem>> -> memref<80xi32, #tpu.memory_space<vmem>>
      %dma_start3A_167 = arith.constant 0 : i32
      %dma_start3A_168 = arith.constant 0 : i32
      %dma_start3A_169 = tpu.memref_slice %arg16[%dma_start3A_167, %dma_start3A_168] : memref<10000x144xf32, #tpu.memory_space<vmem_shared>> -> memref<10000x144xf32, #tpu.memory_space<vmem_shared>>
      %dma_start3A_170 = tpu.memref_slice %arg18[%rem3A_88] : memref<2x!tpu.dma_semaphore, #tpu.memory_space<semaphore_mem>> -> memref<1x!tpu.dma_semaphore, #tpu.memory_space<semaphore_mem>>
      %dma_start3A_171 = tpu.memref_squeeze %dma_start3A_170 : memref<1x!tpu.dma_semaphore, #tpu.memory_space<semaphore_mem>> -> memref<!tpu.dma_semaphore, #tpu.memory_space<semaphore_mem>>
      tpu.enqueue_indirect_dma source(%dma_start3A_163 : memref<80x144xf32, #tpu.memory_space<vmem>>) target(%dma_start3A_169 : memref<10000x144xf32, #tpu.memory_space<vmem_shared>>) offsets(%dma_start3A_166 : memref<80xi32, #tpu.memory_space<vmem>>) semaphore(%dma_start3A_171 : memref<!tpu.dma_semaphore, #tpu.memory_space<semaphore_mem>>) {add = true}
    }
    %scan3A_61 = arith.constant 125 : i32
    %dma_wait3A = arith.constant 0 : i32
    %dma_wait3A_62 = arith.constant 0 : i32
    %dma_wait3A_63 = arith.constant 0 : i32
    %dma_wait3A_64 = arith.constant 0 : i32
    %dma_wait3A_65 = arith.constant 0 : i32
    %dma_wait3A_66 = tpu.memref_slice %arg13[%dma_wait3A, %dma_wait3A_64, %dma_wait3A_65] : memref<2x80x144xf32, #tpu.memory_space<vmem>> -> memref<1x80x144xf32, #tpu.memory_space<vmem>>
    %dma_wait3A_67 = tpu.memref_squeeze %dma_wait3A_66 : memref<1x80x144xf32, #tpu.memory_space<vmem>> -> memref<80x144xf32, #tpu.memory_space<vmem>>
    %dma_wait3A_68 = arith.constant 0 : i32
    %dma_wait3A_69 = tpu.memref_slice %arg11[%dma_wait3A_62, %dma_wait3A_68] : memref<4x80xi32, #tpu.memory_space<vmem>> -> memref<1x80xi32, #tpu.memory_space<vmem>>
    %dma_wait3A_70 = tpu.memref_squeeze %dma_wait3A_69 : memref<1x80xi32, #tpu.memory_space<vmem>> -> memref<80xi32, #tpu.memory_space<vmem>>
    %dma_wait3A_71 = arith.constant 0 : i32
    %dma_wait3A_72 = arith.constant 0 : i32
    %dma_wait3A_73 = tpu.memref_slice %arg16[%dma_wait3A_71, %dma_wait3A_72] : memref<10000x144xf32, #tpu.memory_space<vmem_shared>> -> memref<10000x144xf32, #tpu.memory_space<vmem_shared>>
    %dma_wait3A_74 = tpu.memref_slice %arg18[%dma_wait3A_63] : memref<2x!tpu.dma_semaphore, #tpu.memory_space<semaphore_mem>> -> memref<1x!tpu.dma_semaphore, #tpu.memory_space<semaphore_mem>>
    %dma_wait3A_75 = tpu.memref_squeeze %dma_wait3A_74 : memref<1x!tpu.dma_semaphore, #tpu.memory_space<semaphore_mem>> -> memref<!tpu.dma_semaphore, #tpu.memory_space<semaphore_mem>>
    tpu.wait_indirect_dma semaphore(%dma_wait3A_75 : memref<!tpu.dma_semaphore, #tpu.memory_space<semaphore_mem>>) src(%dma_wait3A_67 : memref<80x144xf32, #tpu.memory_space<vmem>>) dst(%dma_wait3A_73 : memref<10000x144xf32, #tpu.memory_space<vmem_shared>>)
    %barrier3A_76 = arith.constant 0 : index
    tpu.barrier barrier_id(%barrier3A_76)
    %lt3A_77 = arith.constant 15 : i32
    %lt3A_78 = arith.cmpi slt, %arg1, %lt3A_77 : i32
    %convert_element_type3A_79 = arith.extui %lt3A_78 : i1 to i32
    %cond3A_80 = arith.constant 0 : i32
    %cond3A_81 = arith.cmpi ne, %convert_element_type3A_79, %cond3A_80 : i32
    scf.if %cond3A_81 {
      %mul3A_87 = arith.constant 632 : i32
      %mul3A_88 = arith.muli %arg1, %mul3A_87 : i32
      %mul3A_89 = arith.constant 10000 : i32
      %mul3A_90 = arith.muli %arg0, %mul3A_89 : i32
      %mul3A_91 = arith.constant 632 : i32
      %mul3A_92 = arith.muli %arg1, %mul3A_91 : i32
      %add3A_93 = arith.addi %mul3A_90, %mul3A_92 : i32
      "tpu.region"() ({
        %run_scoped3A_94 = tpu.sem_alloc : memref<!tpu.dma_semaphore, #tpu.memory_space<semaphore_mem>>
        %dma_start3A_95 = arith.constant 0 : i32
        %dma_start3A_96 = tpu.memref_slice %arg9[%add3A_93, %dma_start3A_95] : memref<20000x144xf32, #tpu.memory_space<hbm>> -> memref<632x144xf32, #tpu.memory_space<hbm>>
        %dma_start3A_97 = arith.constant 0 : i32
        %dma_start3A_98 = tpu.memref_slice %arg16[%mul3A_88, %dma_start3A_97] : memref<10000x144xf32, #tpu.memory_space<vmem_shared>> -> memref<632x144xf32, #tpu.memory_space<vmem_shared>>
        tpu.enqueue_dma source(%dma_start3A_98 : memref<632x144xf32, #tpu.memory_space<vmem_shared>>) target(%dma_start3A_96 : memref<632x144xf32, #tpu.memory_space<hbm>>) target_semaphore(%run_scoped3A_94 : memref<!tpu.dma_semaphore, #tpu.memory_space<semaphore_mem>>)
        %dma_wait3A_99 = arith.constant 0 : i32
        %dma_wait3A_100 = tpu.memref_slice %arg9[%add3A_93, %dma_wait3A_99] : memref<20000x144xf32, #tpu.memory_space<hbm>> -> memref<632x144xf32, #tpu.memory_space<hbm>>
        %dma_wait3A_101 = arith.constant 0 : i32
        %dma_wait3A_102 = tpu.memref_slice %arg16[%mul3A_88, %dma_wait3A_101] : memref<10000x144xf32, #tpu.memory_space<vmem_shared>> -> memref<632x144xf32, #tpu.memory_space<vmem_shared>>
        tpu.wait_dma2 semaphore(%run_scoped3A_94 : memref<!tpu.dma_semaphore, #tpu.memory_space<semaphore_mem>>) src(%dma_wait3A_102 : memref<632x144xf32, #tpu.memory_space<vmem_shared>>) dst(%dma_wait3A_100 : memref<632x144xf32, #tpu.memory_space<hbm>>)
        tpu.yield
      }) : () -> ()
    } else {
    }
    %eq3A_82 = arith.constant 15 : i32
    %eq3A_83 = arith.cmpi eq, %arg1, %eq3A_82 : i32
    %convert_element_type3A_84 = arith.extui %eq3A_83 : i1 to i32
    %cond3A_85 = arith.constant 0 : i32
    %cond3A_86 = arith.cmpi ne, %convert_element_type3A_84, %cond3A_85 : i32
    scf.if %cond3A_86 {
      %mul3A_87 = arith.constant 10000 : i32
      %mul3A_88 = arith.muli %arg0, %mul3A_87 : i32
      %add3A_89 = arith.constant 9480 : i32
      %add3A_90 = arith.addi %mul3A_88, %add3A_89 : i32
      "tpu.region"() ({
        %run_scoped3A_91 = tpu.sem_alloc : memref<!tpu.dma_semaphore, #tpu.memory_space<semaphore_mem>>
        %dma_start3A_92 = arith.constant 0 : i32
        %dma_start3A_93 = tpu.memref_slice %arg9[%add3A_90, %dma_start3A_92] : memref<20000x144xf32, #tpu.memory_space<hbm>> -> memref<520x144xf32, #tpu.memory_space<hbm>>
        %dma_start3A_94 = arith.constant 9480 : i32
        %dma_start3A_95 = arith.constant 0 : i32
        %dma_start3A_96 = tpu.memref_slice %arg16[%dma_start3A_94, %dma_start3A_95] : memref<10000x144xf32, #tpu.memory_space<vmem_shared>> -> memref<520x144xf32, #tpu.memory_space<vmem_shared>>
        tpu.enqueue_dma source(%dma_start3A_96 : memref<520x144xf32, #tpu.memory_space<vmem_shared>>) target(%dma_start3A_93 : memref<520x144xf32, #tpu.memory_space<hbm>>) target_semaphore(%run_scoped3A_91 : memref<!tpu.dma_semaphore, #tpu.memory_space<semaphore_mem>>)
        %dma_wait3A_97 = arith.constant 0 : i32
        %dma_wait3A_98 = tpu.memref_slice %arg9[%add3A_90, %dma_wait3A_97] : memref<20000x144xf32, #tpu.memory_space<hbm>> -> memref<520x144xf32, #tpu.memory_space<hbm>>
        %dma_wait3A_99 = arith.constant 9480 : i32
        %dma_wait3A_100 = arith.constant 0 : i32
        %dma_wait3A_101 = tpu.memref_slice %arg16[%dma_wait3A_99, %dma_wait3A_100] : memref<10000x144xf32, #tpu.memory_space<vmem_shared>> -> memref<520x144xf32, #tpu.memory_space<vmem_shared>>
        tpu.wait_dma2 semaphore(%run_scoped3A_91 : memref<!tpu.dma_semaphore, #tpu.memory_space<semaphore_mem>>) src(%dma_wait3A_101 : memref<520x144xf32, #tpu.memory_space<vmem_shared>>) dst(%dma_wait3A_98 : memref<520x144xf32, #tpu.memory_space<hbm>>)
        tpu.yield
      }) : () -> ()
    } else {
    }
    return
  }
}

module attributes {stable_mosaic.version = 14 : i64} {
  func.func @_tc_front(%arg0: i32, %arg1: memref<1000x128xf32, #tpu.memory_space<vmem>>, %arg2: memref<128x128xf32, #tpu.memory_space<vmem>>, %arg3: memref<128x16xf32, #tpu.memory_space<vmem>>, %arg4: memref<128x16xf32, #tpu.memory_space<vmem>>, %arg5: memref<1000x144xf32, #tpu.memory_space<vmem>>, %arg6: memref<1000x16xf32, #tpu.memory_space<vmem>>, %arg7: memref<8x16xf32, #tpu.memory_space<vmem>>, %arg8: memref<8x16xf32, #tpu.memory_space<vmem>>) attributes {dimension_semantics = [#tpu.dimension_semantics<arbitrary>], iteration_bounds = array<i64: 10>, scalar_prefetch = 0 : i64, scratch_operands = 0 : i64, tpu.core_type = #tpu.core_type<tc>, window_params = [{transform_indices = @transform_0, window_bounds = array<i64: 1000, 128>}, {pipeline_mode = #tpu.pipeline_mode<synchronous>, transform_indices = @transform_1, window_bounds = array<i64: 128, 128>}, {pipeline_mode = #tpu.pipeline_mode<synchronous>, transform_indices = @transform_2, window_bounds = array<i64: 128, 16>}, {pipeline_mode = #tpu.pipeline_mode<synchronous>, transform_indices = @transform_3, window_bounds = array<i64: 128, 16>}, {transform_indices = @transform_4, window_bounds = array<i64: 1000, 144>}, {transform_indices = @transform_5, window_bounds = array<i64: 1000, 16>}, {pipeline_mode = #tpu.pipeline_mode<synchronous>, transform_indices = @transform_6, window_bounds = array<i64: 8, 16>}, {pipeline_mode = #tpu.pipeline_mode<synchronous>, transform_indices = @transform_7, window_bounds = array<i64: 8, 16>}]} {
    %get3A = arith.constant 0 : index
    %get3A_0 = arith.constant 0 : index
    %get3A_1 = vector.load %arg1[%get3A, %get3A_0] : memref<1000x128xf32, #tpu.memory_space<vmem>>, vector<1000x128xf32>
    %get3A_2 = arith.constant 0 : index
    %get3A_3 = arith.constant 0 : index
    %get3A_4 = vector.load %arg2[%get3A_2, %get3A_3] : memref<128x128xf32, #tpu.memory_space<vmem>>, vector<128x128xf32>
    %dot_general3A = arith.constant dense<0.000000e+00> : vector<1000x128xf32>
    %dot_general3A_5 = tpu.matmul %get3A_1, %get3A_4, %dot_general3A {dimension_numbers = #tpu.dot_dimension_numbers<[1], [0], [0], [1], [0, 0, 1, 1], [], []>, transpose_lhs_hint = false} : vector<1000x128xf32>, vector<128x128xf32>, vector<1000x128xf32> -> vector<1000x128xf32>
    %get3A_6 = arith.constant 0 : index
    %get3A_7 = arith.constant 0 : index
    %get3A_8 = vector.load %arg3[%get3A_6, %get3A_7] : memref<128x16xf32, #tpu.memory_space<vmem>>, vector<128x16xf32>
    %dot_general3A_9 = arith.constant dense<0.000000e+00> : vector<1000x16xf32>
    %dot_general3A_10 = tpu.matmul %dot_general3A_5, %get3A_8, %dot_general3A_9 {dimension_numbers = #tpu.dot_dimension_numbers<[1], [0], [0], [1], [0, 0, 1, 1], [], []>, transpose_lhs_hint = false} : vector<1000x128xf32>, vector<128x16xf32>, vector<1000x16xf32> -> vector<1000x16xf32>
    %get3A_11 = arith.constant 0 : index
    %get3A_12 = arith.constant 0 : index
    %get3A_13 = vector.load %arg4[%get3A_11, %get3A_12] : memref<128x16xf32, #tpu.memory_space<vmem>>, vector<128x16xf32>
    %dot_general3A_14 = arith.constant dense<0.000000e+00> : vector<1000x16xf32>
    %dot_general3A_15 = tpu.matmul %dot_general3A_5, %get3A_13, %dot_general3A_14 {dimension_numbers = #tpu.dot_dimension_numbers<[1], [0], [0], [1], [0, 0, 1, 1], [], []>, transpose_lhs_hint = false} : vector<1000x128xf32>, vector<128x16xf32>, vector<1000x16xf32> -> vector<1000x16xf32>
    %concatenate3A = tpu.concatenate %dot_general3A_5, %dot_general3A_15 in 1 : vector<1000x128xf32>, vector<1000x16xf32> -> vector<1000x144xf32>
    %swap3A = arith.constant 0 : index
    %swap3A_16 = arith.constant 0 : index
    %swap3A_17 = vector.load %arg5[%swap3A, %swap3A_16] : memref<1000x144xf32, #tpu.memory_space<vmem>>, vector<1000x144xf32>
    tpu.vector_store %arg5[%swap3A, %swap3A_16], %concatenate3A {strides = array<i32>} : memref<1000x144xf32, #tpu.memory_space<vmem>>, vector<1000x144xf32>,
    %swap3A_18 = arith.constant 0 : index
    %swap3A_19 = arith.constant 0 : index
    %swap3A_20 = vector.load %arg6[%swap3A_18, %swap3A_19] : memref<1000x16xf32, #tpu.memory_space<vmem>>, vector<1000x16xf32>
    tpu.vector_store %arg6[%swap3A_18, %swap3A_19], %dot_general3A_10 {strides = array<i32>} : memref<1000x16xf32, #tpu.memory_space<vmem>>, vector<1000x16xf32>,
    %eq3A = arith.constant 0 : i32
    %eq3A_21 = arith.cmpi eq, %arg0, %eq3A : i32
    %convert_element_type3A = arith.extui %eq3A_21 : i1 to i32
    %cond3A = arith.constant 0 : i32
    %cond3A_22 = arith.cmpi ne, %convert_element_type3A, %cond3A : i32
    scf.if %cond3A_22 {
      %broadcast_in_dim3A_42 = arith.constant 0xFF800000 : f32
      %broadcast_in_dim3A_43 = vector.broadcast %broadcast_in_dim3A_42 : f32 to vector<8x16xf32>
      %swap3A_44 = arith.constant 0 : index
      %swap3A_45 = arith.constant 0 : index
      %swap3A_46 = vector.load %arg7[%swap3A_44, %swap3A_45] : memref<8x16xf32, #tpu.memory_space<vmem>>, vector<8x16xf32>
      tpu.vector_store %arg7[%swap3A_44, %swap3A_45], %broadcast_in_dim3A_43 {strides = array<i32>} : memref<8x16xf32, #tpu.memory_space<vmem>>, vector<8x16xf32>,
      %broadcast_in_dim3A_47 = arith.constant 0xFF800000 : f32
      %broadcast_in_dim3A_48 = vector.broadcast %broadcast_in_dim3A_47 : f32 to vector<8x16xf32>
      %swap3A_49 = arith.constant 0 : index
      %swap3A_50 = arith.constant 0 : index
      %swap3A_51 = vector.load %arg8[%swap3A_49, %swap3A_50] : memref<8x16xf32, #tpu.memory_space<vmem>>, vector<8x16xf32>
      tpu.vector_store %arg8[%swap3A_49, %swap3A_50], %broadcast_in_dim3A_48 {strides = array<i32>} : memref<8x16xf32, #tpu.memory_space<vmem>>, vector<8x16xf32>,
    } else {
    }
    %get3A_23 = arith.constant 0 : index
    %get3A_24 = arith.constant 0 : index
    %get3A_25 = vector.load %arg7[%get3A_23, %get3A_24] : memref<8x16xf32, #tpu.memory_space<vmem>>, vector<8x16xf32>
    %reduce_max3A = arith.constant dense<0xFF800000> : vector<16xf32>
    %reduce_max3A_26 = vector.multi_reduction <maximumf>, %dot_general3A_10, %reduce_max3A [0] : vector<1000x16xf32> to vector<16xf32>
    %broadcast_in_dim3A = vector.shape_cast %reduce_max3A_26 : vector<16xf32> to vector<1x16xf32>
    %max3A = vector.broadcast %broadcast_in_dim3A : vector<1x16xf32> to vector<8x16xf32>
    %max3A_27 = arith.maximumf %get3A_25, %max3A : vector<8x16xf32>
    %swap3A_28 = arith.constant 0 : index
    %swap3A_29 = arith.constant 0 : index
    %swap3A_30 = vector.load %arg7[%swap3A_28, %swap3A_29] : memref<8x16xf32, #tpu.memory_space<vmem>>, vector<8x16xf32>
    tpu.vector_store %arg7[%swap3A_28, %swap3A_29], %max3A_27 {strides = array<i32>} : memref<8x16xf32, #tpu.memory_space<vmem>>, vector<8x16xf32>,
    %get3A_31 = arith.constant 0 : index
    %get3A_32 = arith.constant 0 : index
    %get3A_33 = vector.load %arg8[%get3A_31, %get3A_32] : memref<8x16xf32, #tpu.memory_space<vmem>>, vector<8x16xf32>
    %reduce_max3A_34 = arith.constant dense<0xFF800000> : vector<16xf32>
    %reduce_max3A_35 = vector.multi_reduction <maximumf>, %dot_general3A_15, %reduce_max3A_34 [0] : vector<1000x16xf32> to vector<16xf32>
    %broadcast_in_dim3A_36 = vector.shape_cast %reduce_max3A_35 : vector<16xf32> to vector<1x16xf32>
    %max3A_37 = vector.broadcast %broadcast_in_dim3A_36 : vector<1x16xf32> to vector<8x16xf32>
    %max3A_38 = arith.maximumf %get3A_33, %max3A_37 : vector<8x16xf32>
    %swap3A_39 = arith.constant 0 : index
    %swap3A_40 = arith.constant 0 : index
    %swap3A_41 = vector.load %arg8[%swap3A_39, %swap3A_40] : memref<8x16xf32, #tpu.memory_space<vmem>>, vector<8x16xf32>
    tpu.vector_store %arg8[%swap3A_39, %swap3A_40], %max3A_38 {strides = array<i32>} : memref<8x16xf32, #tpu.memory_space<vmem>>, vector<8x16xf32>,
    return
  }
  func.func @transform_0(%arg0: i32) -> (i32, i32) {
    %c0_i32 = arith.constant 0 : i32
    %c0_i32_0 = arith.constant 0 : i32
    return %arg0, %c0_i32 : i32, i32
  }
  func.func @transform_1(%arg0: i32) -> (i32, i32) {
    %c0_i32 = arith.constant 0 : i32
    %c0_i32_0 = arith.constant 0 : i32
    %c0_i32_1 = arith.constant 0 : i32
    return %c0_i32, %c0_i32_0 : i32, i32
  }
  func.func @transform_2(%arg0: i32) -> (i32, i32) {
    %c0_i32 = arith.constant 0 : i32
    %c0_i32_0 = arith.constant 0 : i32
    %c0_i32_1 = arith.constant 0 : i32
    return %c0_i32, %c0_i32_0 : i32, i32
  }
  func.func @transform_3(%arg0: i32) -> (i32, i32) {
    %c0_i32 = arith.constant 0 : i32
    %c0_i32_0 = arith.constant 0 : i32
    %c0_i32_1 = arith.constant 0 : i32
    return %c0_i32, %c0_i32_0 : i32, i32
  }
  func.func @transform_4(%arg0: i32) -> (i32, i32) {
    %c0_i32 = arith.constant 0 : i32
    %c0_i32_0 = arith.constant 0 : i32
    return %arg0, %c0_i32 : i32, i32
  }
  func.func @transform_5(%arg0: i32) -> (i32, i32) {
    %c0_i32 = arith.constant 0 : i32
    %c0_i32_0 = arith.constant 0 : i32
    return %arg0, %c0_i32 : i32, i32
  }
  func.func @transform_6(%arg0: i32) -> (i32, i32) {
    %c0_i32 = arith.constant 0 : i32
    %c0_i32_0 = arith.constant 0 : i32
    %c0_i32_1 = arith.constant 0 : i32
    return %c0_i32, %c0_i32_0 : i32, i32
  }
  func.func @transform_7(%arg0: i32) -> (i32, i32) {
    %c0_i32 = arith.constant 0 : i32
    %c0_i32_0 = arith.constant 0 : i32
    %c0_i32_1 = arith.constant 0 : i32
    return %c0_i32, %c0_i32_0 : i32, i32
  }
}

module attributes {stable_mosaic.version = 14 : i64} {
  func.func @_tc_combine(%arg0: i32, %arg1: memref<1000x144xf32, #tpu.memory_space<vmem>>, %arg2: memref<1000x144xf32, #tpu.memory_space<vmem>>, %arg3: memref<4x128xf32, #tpu.memory_space<vmem>>, %arg4: memref<1000x128xf32, #tpu.memory_space<vmem>>) attributes {dimension_semantics = [#tpu.dimension_semantics<arbitrary>], iteration_bounds = array<i64: 10>, scalar_prefetch = 0 : i64, scratch_operands = 0 : i64, tpu.core_type = #tpu.core_type<tc>, window_params = [{transform_indices = @transform_0, window_bounds = array<i64: 1000, 144>}, {transform_indices = @transform_1, window_bounds = array<i64: 1000, 144>}, {pipeline_mode = #tpu.pipeline_mode<synchronous>, transform_indices = @transform_2, window_bounds = array<i64: 4, 128>}, {transform_indices = @transform_3, window_bounds = array<i64: 1000, 128>}]} {
    %get3A = arith.constant 0 : index
    %get3A_0 = arith.constant 0 : index
    %get3A_1 = vector.load %arg1[%get3A, %get3A_0] : memref<1000x144xf32, #tpu.memory_space<vmem>>, vector<1000x144xf32>
    %get3A_2 = arith.constant 0 : index
    %get3A_3 = arith.constant 0 : index
    %get3A_4 = vector.load %arg2[%get3A_2, %get3A_3] : memref<1000x144xf32, #tpu.memory_space<vmem>>, vector<1000x144xf32>
    %add3A = arith.addf %get3A_1, %get3A_4 : vector<1000x144xf32>
    %slice3A = vector.extract_strided_slice %add3A {offsets = [0, 128], sizes = [1000, 4], strides = [1, 1]} : vector<1000x144xf32> to vector<1000x4xf32>
    %add3A_5 = arith.constant 1.000000e-16 : f32
    %add3A_6 = vector.broadcast %add3A_5 : f32 to vector<1000x4xf32>
    %add3A_7 = arith.addf %slice3A, %add3A_6 : vector<1000x4xf32>
    %div3A = arith.constant 1.000000e+00 : f32
    %div3A_8 = vector.broadcast %div3A : f32 to vector<1000x4xf32>
    %div3A_9 = arith.divf %div3A_8, %add3A_7 : vector<1000x4xf32>
    %slice3A_10 = vector.extract_strided_slice %add3A {offsets = [0, 0], sizes = [1000, 128], strides = [1, 1]} : vector<1000x144xf32> to vector<1000x128xf32>
    %get3A_11 = arith.constant 0 : index
    %get3A_12 = arith.constant 0 : index
    %get3A_13 = vector.load %arg3[%get3A_11, %get3A_12] : memref<4x128xf32, #tpu.memory_space<vmem>>, vector<4x128xf32>
    %dot_general3A = arith.constant dense<0.000000e+00> : vector<1000x128xf32>
    %dot_general3A_14 = tpu.matmul %div3A_9, %get3A_13, %dot_general3A {dimension_numbers = #tpu.dot_dimension_numbers<[1], [0], [0], [1], [0, 0, 1, 1], [], []>, transpose_lhs_hint = false} : vector<1000x4xf32>, vector<4x128xf32>, vector<1000x128xf32> -> vector<1000x128xf32>
    %mul3A = arith.mulf %slice3A_10, %dot_general3A_14 : vector<1000x128xf32>
    %swap3A = arith.constant 0 : index
    %swap3A_15 = arith.constant 0 : index
    %swap3A_16 = vector.load %arg4[%swap3A, %swap3A_15] : memref<1000x128xf32, #tpu.memory_space<vmem>>, vector<1000x128xf32>
    tpu.vector_store %arg4[%swap3A, %swap3A_15], %mul3A {strides = array<i32>} : memref<1000x128xf32, #tpu.memory_space<vmem>>, vector<1000x128xf32>,
    return
  }
  func.func @transform_0(%arg0: i32) -> (i32, i32) {
    %c0_i32 = arith.constant 0 : i32
    %c0_i32_0 = arith.constant 0 : i32
    return %arg0, %c0_i32 : i32, i32
  }
  func.func @transform_1(%arg0: i32) -> (i32, i32) {
    %add3A = arith.constant 10 : i32
    %add3A_0 = arith.addi %add3A, %arg0 : i32
    %c0_i32 = arith.constant 0 : i32
    %c0_i32_1 = arith.constant 0 : i32
    return %add3A_0, %c0_i32 : i32, i32
  }
  func.func @transform_2(%arg0: i32) -> (i32, i32) {
    %c0_i32 = arith.constant 0 : i32
    %c0_i32_0 = arith.constant 0 : i32
    %c0_i32_1 = arith.constant 0 : i32
    return %c0_i32, %c0_i32_0 : i32, i32
  }
  func.func @transform_3(%arg0: i32) -> (i32, i32) {
    %c0_i32 = arith.constant 0 : i32
    %c0_i32_0 = arith.constant 0 : i32
    return %arg0, %c0_i32 : i32, i32
  }
}

</mosaic_0001>

<sc_bundles>
// kernel: kernel.5.cloned.1.call-start
scs
__scs_entry_jumppad:
0x0: {  	(pc) =	sbr.rel $0x88, $3  }
0x1: {  	(tag) =	ssettag $0x0;
	lr =	simm.s32 $0x1  }
0x2: {  	[smem:$0x3F9C] =	sst lr;
	_ =	strace $0xD0000000  }
0x3: {  	_ = 	snop  }
0x4: {  	_ = 	snop  }
0x5: {  	_ = 	snop  }
0x6: {  	_ = 	snop  }
0x7: {  	_ = 	snop  }
__scs_overlays_trampoline_lowered:
0x8: {  	[smem:$0x3FAB] =	sst s0  }
0x9: {  	[smem:$0x3FAC] =	sst s1  }
0xa: {  	[smem:$0x3FAD] =	sst s2  }
0xb: {  	[smem:$0x3FAE] =	sst s3  }
0xc: {  	[smem:$0x3FAF] =	sst s4  }
0xd: {  	[smem:$0x3FB0] =	sst s5  }
0xe: {  	[smem:$0x3FB1] =	sst s6  }
0xf: {  	[smem:$0x3FB2] =	sst s7  }
0x10: {  	[smem:$0x3FB3] =	sst s8  }
0x11: {  	[smem:$0x3FB4] =	sst s9;
	s0 =	simm.s32 @!p0 $0x0  }
0x12: {  	s1 =	sld [smem:$0x3F9A];
	s0 =	simm.s32 @p0 $0x1  }
0x13: {  	[smem:$0x3FB5] =	sst s0;
	s0 =	simm.s32 @!p1 $0x0  }
0x14: {  	s2 =	sld [smem:$0x3F99];
	s0 =	simm.s32 @p1 $0x1  }
0x15: {  	[smem:$0x3FB6] =	sst s0;
	s0 =	simm.s32 @!p2 $0x0  }
0x16: {  	s3 =	sld [smem:$0x3FDB];
	s0 =	simm.s32 @p2 $0x1  }
0x17: {  	s4 =	simm.s32 $0x1BF5;
	[smem:$0x3FB8] =	sst s0  }
0x18: {  	s0 =	sld [smem:$0x3F9B];
	_ =	swait.ge [sflag:s4], $0x0  }
0x19: {  	s7 =	sld [smem:$0x3F9C]  }
0x1a: {  	s8 =	sadd.s32 $0xFFFFE003, lr  }
0x1b: {  	s9 =	sadd.s32 $0xFFFFFEF7, lr;
	s5 =	simm.s32 $0xFFFFFFFF;
	p2 =	slt.u32 s8, $0xFFFFF086  }
0x1c: {  	p1 =	slt.u32 s9, $0xF7A;
	s5 =	simm.s32 @!p2 $0x0  }
0x1d: {  	s5 =	simm.s32 @p1 $0x1;
	p0 =	seq.s32 s7, s2  }
0x1e: {  	s7 =	smul.u32 @!p0 $0xF7A, s2;
	p2 =	seq.s32 @!p0 s5, $0x0  }
0x1f: {  	s9 =	smul.u32 $0xF7A, s1;
	s8 =	simm.s32 @!p0 $0x1BF5;
	p2 =	por !p2, p0  }
0x20: {  	[sflag:s8] =	ssyncset.s32 @!p0 $0xFFFFF086;
	s6 =	sadd.s32 @!p0 s3, s7;
	s7 =	simm.s32 @!p0 $0x108  }
0x21: {  	s3 =	sadd.s32 s3, s9;
	s6 =	sadd.s32 @!p0 $0x88, s6;
	s7 =	simm.s32 @p2 $0x1082  }
0x22: {  	[simem:s7], [sflag:s8] =	dma.local @!p0 [hbm:s6], $0xF7A  }
0x23: {  	s9 =	sor.u32 $0xD0000000, s2;
	s6 =	simm.s32 $0x108;
	_ =	swait.ge @!p0 [sflag:s8], $0x0  }
0x24: {  	s3 =	sadd.s32 $0x88, s3;
	s6 =	simm.s32 @!p1 $0x1082;
	[sflag:s4] =	ssyncset.s32 $0xFFFFF086  }
0x25: {  	[simem:s6], [sflag:s4] =	dma.local [hbm:s3], $0xF7A  }
0x26: {  	[smem:$0x3F9C] =	sst s1;
	(tag) =	ssettag s2;
	_ =	strace s9  }
0x27: {  	s1 =	sld [smem:$0x3FAC]  }
0x28: {  	s2 =	sld [smem:$0x3FAD]  }
0x29: {  	s4 =	sld [smem:$0x3FAF]  }
0x2a: {  	p0 =	seq.s32 s5, $0x0;
	s5 =	sld [smem:$0x3FB0]  }
0x2b: {  	s6 =	sld [smem:$0x3FB1]  }
0x2c: {  	s7 =	sld [smem:$0x3FB2]  }
0x2d: {  	s3 =	simm.s32 $0x108;
	s8 =	sld [smem:$0x3FB3]  }
0x2e: {  	s3 =	simm.s32 @!p0 $0x1082;
	s9 =	sld [smem:$0x3FB4]  }
0x2f: {  	lr =	sadd.s32 s0, s3;
	s0 =	sld [smem:$0x3FAB]  }
0x30: {  	s3 =	sld [smem:$0x3FAE]  }
0x31: {  	[smem:$0x3FB7] =	sst s10  }
0x32: {  	s10 =	sld [smem:$0x3FB5];
	_ =	sdelay $0x3  }
0x33: {  	p0 =	seq.s32 s10, $0x1;
	s10 =	sld [smem:$0x3FB7];
	_ =	sdelay $0x3  }
0x34: {  	[smem:$0x3FB7] =	sst s10  }
0x35: {  	s10 =	sld [smem:$0x3FB6];
	_ =	sdelay $0x3  }
0x36: {  	p1 =	seq.s32 s10, $0x1;
	s10 =	sld [smem:$0x3FB7];
	_ =	sdelay $0x3  }
0x37: {  	[smem:$0x3FB7] =	sst s10  }
0x38: {  	s10 =	sld [smem:$0x3FB8]  }
0x39: {  	_ = 	snop;
	(pc) =	sbr.ind lr, $3  }
0x3a: {  	_ = 	snop  }
0x3b: {  	_ = 	snop  }
0x3c: {  	p2 =	seq.s32 s10, $0x1;
	s10 =	sld [smem:$0x3FB7]  }
0x3d: {  	_ =	shalt  }
0x3e: {  	_ =	shalt  }
0x3f: {  	_ =	shalt  }
0x40: {  	_ =	shalt  }
0x41: {  	_ =	shalt  }
0x42: {  	_ =	shalt  }
0x43: {  	_ =	shalt  }
0x44: {  	_ =	shalt  }
0x45: {  	_ =	shalt  }
0x46: {  	_ =	shalt  }
0x47: {  	_ =	shalt  }
0x48: {  	_ =	shalt  }
0x49: {  	_ =	shalt  }
0x4a: {  	_ =	shalt  }
0x4b: {  	_ =	shalt  }
0x4c: {  	_ =	shalt  }
0x4d: {  	_ =	shalt  }
0x4e: {  	_ =	shalt  }
0x4f: {  	_ =	shalt  }
0x50: {  	_ =	shalt  }
0x51: {  	_ =	shalt  }
0x52: {  	_ =	shalt  }
0x53: {  	_ =	shalt  }
0x54: {  	_ =	shalt  }
0x55: {  	_ =	shalt  }
0x56: {  	_ =	shalt  }
0x57: {  	_ =	shalt  }
0x58: {  	_ =	shalt  }
0x59: {  	_ =	shalt  }
0x5a: {  	_ =	shalt  }
0x5b: {  	_ =	shalt  }
0x5c: {  	_ =	shalt  }
0x5d: {  	_ =	shalt  }
0x5e: {  	_ =	shalt  }
0x5f: {  	_ =	shalt  }
0x60: {  	_ =	shalt  }
0x61: {  	_ =	shalt  }
0x62: {  	_ =	shalt  }
0x63: {  	_ =	shalt  }
0x64: {  	_ =	shalt  }
0x65: {  	_ =	shalt  }
0x66: {  	_ =	shalt  }
0x67: {  	_ =	shalt  }
0x68: {  	_ =	shalt  }
0x69: {  	_ =	shalt  }
0x6a: {  	_ =	shalt  }
0x6b: {  	_ =	shalt  }
0x6c: {  	_ =	shalt  }
0x6d: {  	_ =	shalt  }
0x6e: {  	_ =	shalt  }
0x6f: {  	_ =	shalt  }
0x70: {  	_ =	shalt  }
0x71: {  	_ =	shalt  }
0x72: {  	_ =	shalt  }
0x73: {  	_ =	shalt  }
0x74: {  	_ =	shalt  }
0x75: {  	_ =	shalt  }
0x76: {  	_ =	shalt  }
0x77: {  	_ =	shalt  }
0x78: {  	_ =	shalt  }
0x79: {  	_ =	shalt  }
0x7a: {  	_ =	shalt  }
0x7b: {  	_ =	shalt  }
0x7c: {  	_ =	shalt  }
0x7d: {  	_ =	shalt  }
0x7e: {  	_ =	shalt  }
0x7f: {  	_ =	shalt  }
0x80: {  	_ =	shalt  }
0x81: {  	_ =	shalt  }
0x82: {  	_ =	shalt  }
0x83: {  	_ =	shalt  }
0x84: {  	_ =	shalt  }
0x85: {  	_ =	shalt  }
0x86: {  	_ =	shalt  }
0x87: {  	_ =	shalt  }
.Lfunc_end0:
.L_simem_size_0:
called_computation_lowered:
.L_overlay_start_0:
0x88: {  	s2 =	sld [smem:$0x3FD9]  }
0x89: {  	s3 =	sld [smem:$0x3FFE];
	_ =	sdelay $0x1  }
0x8a: {  	s1 =	srdreg.scid  }
0x8b: {  	s0 =	sand.u32 $0x1, s1  }
0x8c: {  	s17 =	sshll.u32 s0, $0xA;
	s2 =	sadd.s32 s3, s2  }
0x8d: {  	s2 =	sadd.s32 s2, s17  }
0x8e: {  	[smem:$0x3FC3] =	sst s2  }
0x8f: {  	_ = 	snop  }
0x90: {  	s2 =	sld [smem:$0x3FD0];
	(tm) =	ssettm $0x1  }
0x91: {  	s18 =	sld [smem:$0x3FFB];
	_ =	sdelay $0x3  }
0x92: {  	_ =	strace s18  }
0x93: {  	s3 =	sld [smem:$0x3FFC];
	_ =	sdelay $0x3  }
0x94: {  	_ =	strace s3  }
0x95: {  	s3 =	sld [smem:$0x3FFD];
	_ =	sdelay $0x3  }
0x96: {  	_ =	strace s3  }
0x97: {  	_ =	strace $0x8FFFFFFF  }
0x98: {  	s19 =	sld [smem:$0x3FDB];
	_ =	sdelay $0x1  }
0x99: {  	s4 =	simm.s32 $_scs_section_size  }
0x9a: {  	s5 =	simm.s32 $_size__tile_overlayer_lowered;
	s6 =	simm.s32 $_tile_overlayer_lowered  }
0x9b: {  	s22 =	simm.s32 $0x1BFF;
	s21 =	sshll.u32 s6, $0x1;
	s3 =	sadd.s32 s4, s19  }
0x9c: {  	s7 =	simm.s32 $0x0;
	s20 =	sshll.u32 s5, $0x1;
	s5 =	sadd.s32 s21, s3  }
0x9d: {  	[timem:s7], [sflag:s22] =	dma.local [hbm:s5], s20  }
0x9e: {  	_ =	swait.ge [sflag:s22], s20  }
0x9f: {  	s4 =	ssub.s32 $0x0, s20;
	[sflag:s22] =	ssyncset.done $0x0  }
0xa0: {  	[sflag:s22] =	ssyncadd.s32 s4;
	_ =	sdelay $0x1  }
0xa1: {  	s23 =	simm.s32 $0x1B8B  }
0xa2: {  	_ =	swait.ge [sflag:s23], $0x1  }
0xa3: {  	[sflag:s23] =	ssyncset.done $0x0  }
0xa4: {  	s25 =	simm.s32 $0x1B8E;
	s24 =	sld [smem:$0x3FFE];
	[sflag:s23] =	ssyncadd.s32 $0xFFFFFFFF  }
0xa5: {  	s26 =	simm.s32 $execute0_lowered;
	[smem:$0x3FD2] =	sst s25  }
0xa6: {  	s5 =	sshll.u32 s26, $0x1;
	_ =	strace $0x80000046;
	[dreg:$0x1] =	wrdreg $0xFFFFFFFF  }
0xa7: {  	s28 =	simm.s32 $_size_execute0_lowered;
	s3 =	sadd.s32 s3, s5;
	[dreg:$0x0] =	wrdreg $0x0  }
0xa8: {  	s5 =	sshll.u32 s28, $0x1;
	[dreg:$0x2] =	wrdreg s3  }
0xa9: {  	[dreg:$0x3] =	wrdreg s5  }
0xaa: {  	[dreg:$0x4] =	wrdreg $0xC0  }
0xab: {  	_ =	task [dreg:s7], $0x5FFFF  }
0xac: {  	[dreg:$0x1] =	wrdreg $0xFFFFFFFF  }
0xad: {  	[dreg:$0x0] =	wrdreg $0x60  }
0xae: {  	[dreg:$0x2] =	wrdreg s24  }
0xaf: {  	[dreg:$0x3] =	wrdreg s2  }
0xb0: {  	[dreg:$0x4] =	wrdreg $0x66A00  }
0xb1: {  	[dreg:$0x5] =	wrdreg $0x9  }
0xb2: {  	_ =	task.clear_ibuf [dreg:s7], $0x6FFFF;
	_ =	strace $0x90000046  }
0xb3: {  	s29 =	simm.s32 $0x9;
	_ =	strace $0x80000048  }
0xb4: {  	_ =	swait.ge [sflag:s29], $0x1  }
0xb5: {  	[sflag:s29] =	ssyncadd.s32 $0xFFFFFFFF  }
0xb6: {  	_ =	strace $0x90000048  }
0xb7: {  	_ =	sfence  }
0xb8: {  	s30 =	sld [smem:$0x0];
	_ =	sdelay $0x2  }
0xb9: {  	s31 =	sshll.u32 s1, $0xD;
	s1 =	sshrl.u32 s1, $0x2  }
0xba: {  	s3 =	sand.u32 $0x4000, s31;
	s1 =	sadd.s32 s1, s30  }
0xbb: {  	s0 =	sor.u32 s3, s0;
	s1 =	sshll.u32 s1, $0x11  }
0xbc: {  	s0 =	sor.u32 s1, s0  }
0xbd: {  	s0 =	sadd.s32 $0x8F2B, s0  }
0xbe: {  	[sflag:s0] =	ssyncadd.remote.s32 $0x1  }
0xbf: {  	_ =	sfence.sel $0xFFFF  }
0xc0: {  	[dreg:$0x0] =	wrdreg $0xFFFFFFFF;
	(pc) =	sbr.abs _section_cstart, $3  }
0xc1: {  	[dreg:$0x1] =	wrdreg $0xFFFFFFFF  }
0xc2: {  	_ =	task.clear_ibuf [dreg:s7], $0x2FFFF;
	_ =	strace $0x9FFFFFFF  }
0xc3: {  	(tm) =	ssettm $0x7FFFFFFF  }
tec
execute0_lowered:
.L_overlay_start_1:
0x0: {  	(tag) =	ssettag $0x1  }
0x1: {  	s0 =	rddreg [dreg:$0x0]  }
0x2: {  	s1 =	rddreg [dreg:$0x1]  }
0x3: {  	s2 =	rddreg [dreg:$0x2]  }
0x4: {  	s3 =	simm.s32 $0x0;
	s14 =	stileid.u32;
	s4 =	srdreg.scid  }
0x5: {  	s28 =	simm.s32 $0x50;
	s21 =	simm.s32 $0x0;
	[smem:$0x7FF] =	sst s3  }
0x6: {  	s5 =	sadd.s32 $0xB200, s0;
	s6 =	sadd.s32 $0x37600, s0;
	s7 =	sadd.s32 $0x1200, s0  }
0x7: {  	s8 =	sadd.s32 $0x37200, s0;
	s22 =	smul.u32 $0x16380, s14;
	s4 =	sand.u32 $0x1, s4  }
0x8: {  	s9 =	sadd.s32 $0x37400, s0;
	s10 =	sshll.u32 s14, $0x7;
	s29 =	smul.u32 $0x2C70, s14  }
0x9: {  	s19 =	sadd.s32 $0x68600, s0;
	s15 =	sadd.s32 $0x14D480, s2;
	s30 =	smul.u32 $0x58E00, s14  }
0xa: {  	p0 =	seq.s32 s14, $0xF;
	_ =	strace $0x80000047;
	[dreg:$0x4] =	wrdreg s8  }
0xb: {  	[dreg:$0x5] =	wrdreg s9;
	s23 =	sshll.u32 s4, $0xB;
	s26 =	smul.u32 $0x2BF20, s4  }
0xc: {  	s12 =	ssub.s32 $0x2, s4;
	[dreg:$0x7] =	wrdreg s15;
	s4 =	smul.u32 $0x15F900, s4  }
0xd: {  	s11 =	sshrl.u32 s22, $0x3;
	s10 =	sor.u32 s10, s23;
	s25 =	sshrl.u32 s12, $0x1  }
0xe: {  	s8 =	sadd.s32 s22, s2;
	s22 =	simm.s32 $0x7;
	s24 =	sadd.s32 s11, s0  }
0xf: {  	s13 =	smul.u32 $0xA, s10;
	s11 =	ssub.s32 s12, s25;
	s0 =	sadd.s32 $0x66090, s0  }
0x10: {  	s4 =	sshrl.u32 s4, $0x3;
	s9 =	sadd.s32 $0x3C600, s24;
	[dreg:$0x8] =	wrdreg s0  }
0x11: {  	s0 =	sshrl.u32 s30, $0x2;
	s4 =	sadd.s32 s19, s4;
	s20 =	smax.u32 s11, $0x1  }
0x12: {  	s24 =	sshrl.u32 @!p0 s8, $0x3;
	[dreg:$0x6] =	wrdreg s9;
	s31 =	sadd.s32 s1, s13  }
0x13: {  	s17 =	sor.u32 $0xA, s13;
	s15 =	sadd.s32 s7, s13;
	s9 =	sadd.s32 s29, s26  }
0x14: {  	s0 =	sadd.s32 s0, s2;
	s26 =	simm.s32 $0x140;
	[dreg:$0x9] =	wrdreg s31  }
0x15: {  	v0 =	vimm.f32 $0.0e+00;
	vm0 =	vcmask $0xF00;
	s16 =	sadd.s32 s1, s17;
	s17 =	sadd.s32 s7, s17;
	s18 =	sadd.s32 s19, s9  }
0x16: {  	v0 =	vsel vm0, $0x3F800000, v0;
	s19 =	sadd.s32 $0x29A90, s4;
	s25 =	sshrl.u32 @!p0 s0, $0x3;
	s0 =	simm.s32 $0x3  }
.LBB2_1:
0x17: {  	s4 =	rddreg [dreg:$0x4];
	s8 =	simm.s32 $0x6680  }
0x18: {  	[tilespmem:s8], [sflag:$0x7] =	stream.linear.gather [hbm4b:s4+s3], $0x10, $0x38;
	[tilespmem:$0x1C630] =	vst v63  }
0x19: {  	_ =	swait.ge [sflag:s22], $0x10  }
0x1a: {  	[sflag:s22] =	ssyncset.done $0x0  }
0x1b: {  	s12 =	simm.s32 $0x6690;
	s11 =	rddreg [dreg:$0x5];
	[sflag:s22] =	ssyncadd.s32 $0xFFFFFFF0  }
0x1c: {  	[tilespmem:s12], [sflag:$0x7] =	stream.linear.gather [hbm4b:s11+s3], $0x10, $0x38;
	[tilespmem:$0x1C630] =	vst v63  }
0x1d: {  	_ =	swait.ge [sflag:s22], $0x10  }
0x1e: {  	s4 =	rddreg [dreg:$0x7]  }
0x1f: {  	[sflag:s22] =	ssyncset.done $0x0;
	s8 =	rddreg [dreg:$0x8]  }
0x20: {  	[sflag:s22] =	ssyncadd.s32 $0xFFFFFFF0;
	s23 =	sshrl.u32 @p0 s4, $0x3;
	s4 =	simm.s32 @p0 $0x1FC7  }
0x21: {  	[spmem:s23], [sflag:s4] =	dma.local @p0 [hbm:s8], $0x2490  }
0x22: {  	s4 =	simm.s32 @p0 $0x7  }
0x23: {  	s8 =	stileid.u32;
	_ =	swait.ge @p0 [sflag:s4], $0x2490  }
0x24: {  	s8 =	sshll.u32 @!p0 s8, $0x6;
	[sflag:s4] =	ssyncset.done @p0 $0x0  }
0x25: {  	s29 =	sor.u32 @!p0 $0x1C07, s8;
	[sflag:s4] =	ssyncadd.s32 @p0 $0xFFFFDB70;
	s4 =	rddreg [dreg:$0x6]  }
0x26: {  	[spmem:s24], [sflag:s29] =	dma.local @!p0 [hbm:s4], $0x2C70  }
0x27: {  	s4 =	simm.s32 @!p0 $0x7  }
0x28: {  	_ =	swait.ge @!p0 [sflag:s4], $0x2C70  }
0x29: {  	[sflag:s4] =	ssyncset.done @!p0 $0x0  }
0x2a: {  	[sflag:s4] =	ssyncadd.s32 @!p0 $0xFFFFD390  }
0x2b: {  	[bflag:$0x0] =	sbarrier.arrive $0xFFFF  }
0x2c: {  	v1 =	vld [tilespmem:$0x6680];
	s13 =	rddreg [dreg:$0x9]  }
0x2d: {  	v2 =	vld [tilespmem:$0x6690];
	[tilespmem:s3], [sflag:$0x7] =	stream.linear.gather [hbm4b:s13+s3], $0x50, $0x38  }
0x2e: {  	_ =	swait.ge [sflag:s22], $0x50  }
0x2f: {  	[sflag:s22] =	ssyncset.done $0x0  }
0x30: {  	[sflag:s22] =	ssyncadd.s32 $0xFFFFFFB0  }
0x31: {  	[tilespmem:s26], [sflag:$0x7] =	stream.linear.gather [hbm4b:s15+s3], $0x50, $0x38;
	[tilespmem:$0x1C630] =	vst v63  }
0x32: {  	_ =	swait.ge [sflag:s22], $0x50  }
0x33: {  	[sflag:s22] =	ssyncset.done $0x0  }
0x34: {  	[sflag:s22] =	ssyncadd.s32 $0xFFFFFFB0  }
0x35: {  	[tilespmem:s28], [sflag:$0x7] =	stream.linear.gather [hbm4b:s16+s3], $0x50, $0x38;
	[tilespmem:$0x1C630] =	vst v63  }
0x36: {  	_ =	swait.ge [sflag:s22], $0x50  }
0x37: {  	[sflag:s22] =	ssyncset.done $0x0  }
0x38: {  	s14 =	simm.s32 $0x190;
	[sflag:s22] =	ssyncadd.s32 $0xFFFFFFB0  }
0x39: {  	[tilespmem:s14], [sflag:$0x7] =	stream.linear.gather [hbm4b:s17+s3], $0x50, $0x38;
	[tilespmem:$0x1C630] =	vst v63  }
0x3a: {  	_ =	swait.ge [sflag:s22], $0x50  }
0x3b: {  	v1 =	vadd.f32 v2, v1;
	[sflag:s22] =	ssyncset.done $0x0  }
0x3c: {  	s30 =	simm.s32 $0xC80;
	[sflag:s22] =	ssyncadd.s32 $0xFFFFFFB0  }
0x3d: {  	v2 =	vmul.f32 $9.999999770e-03, v1;
	[tilespmem:s30], [sflag:$0x1] =	stream.indirect.gather [hbm4b:s5+s28], $0x90, s3, s28, $0xb8;
	[tilespmem:$0x1C630] =	vst v63  }
0x3e: {  	s31 =	simm.s32 $0x280;
	p1 =	por $0x0, $0x0;
	s8 =	simm.s32 $0x0  }
0x3f: {  	v1 =	vmax.f32 v1, v2;
	[tilespmem:s31], [sflag:$0x1] =	stream.indirect.gather [hbm4b:s6+s28], $0x10, s26, s28, $0xb8;
	[tilespmem:$0x1C630] =	vst v63  }
.LBB2_2:
0x40: {  	s30 =	sand.u32 $0x1, s8  }
0x41: {  	s4 =	sadd.s32 $0x1, s30  }
0x42: {  	_ =	swait.ge [sflag:s4], $0x2D00  }
0x43: {  	[sflag:s4] =	ssyncset.done $0x0  }
0x44: {  	p2 =	seq.s32 s8, $0x0;
	[sflag:s4] =	ssyncadd.s32 $0xFFFFD300  }
0x45: {  	s31 =	sadd.s32 $0x1, s8;
	p3 =	seq.s32 @!p2 s8, $0x7C;
	_ =	swait.ge [sflag:s4], $0x500  }
0x46: {  	s9 =	sand.u32 $0x1, s31;
	p4 =	por p3, p2;
	[sflag:s4] =	ssyncset.done $0x0  }
0x47: {  	[sflag:s4] =	ssyncadd.s32 $0xFFFFFB00;
	s4 =	sadd.s32 @!p4 $0x5, s9  }
0x48: {  	_ =	swait.ge @!p4 [sflag:s4], $0x50  }
0x49: {  	[sflag:s4] =	ssyncset.done @!p4 $0x0  }
0x4a: {  	[sflag:s4] =	ssyncadd.s32 @!p4 $0xFFFFFFB0  }
0x4b: {  	p3 =	por p2, !p3;
	_ =	swait.ge @!p4 [sflag:s4], $0x50  }
.Ltmp0:
0x4c: {  	[sflag:s4] =	ssyncset.done @!p4 $0x0;
	(pc) =	sbr.rel @!p3 .LBB2_4-.Ltmp0, $4  }
0x4d: {  	s11 =	sadd.s32 @!p2 $0x3, s9;
	[sflag:s4] =	ssyncadd.s32 @!p4 $0xFFFFFFB0  }
0x4e: {  	_ =	swait.ge @!p2 [sflag:s11], $0x2D00  }
0x4f: {  	[sflag:s11] =	ssyncset.done @!p2 $0x0  }
0x50: {  	s4 =	sand.u32 $0x3, s8;
	[sflag:s11] =	ssyncadd.s32 @!p2 $0xFFFFD300  }
0x51: {  	s11 =	smul.u32 $0xB400, s9  }
0x52: {  	s12 =	sand.u32 $0x3, s31  }
0x53: {  	s12 =	smul.u32 $0x50, s12;
	s11 =	sshrl.u32 s11, $0x2  }
0x54: {  	s13 =	sadd.s32 $0x1, s9;
	s11 =	sadd.s32 $0xC80, s11  }
0x55: {  	[tilespmem:s11], [sflag:s13] =	stream.indirect.gather [hbm4b:s5+s28], $0x90, s12, s28, $0xb8;
	[tilespmem:$0x1C630] =	vst v63  }
0x56: {  	s11 =	smul.u32 $0x1400, s9  }
0x57: {  	p2 =	sgt.u32 s8, $0x7A  }
0x58: {  	s8 =	sor.u32 @!p2 s10, s8;
	s9 =	sshrl.u32 s11, $0x2  }
0x59: {  	s8 =	smul.u32 @!p2 $0x50, s8;
	s14 =	sadd.s32 $0x140, s12;
	s9 =	sadd.s32 $0x280, s9  }
0x5a: {  	[tilespmem:s9], [sflag:s13] =	stream.indirect.gather [hbm4b:s6+s28], $0x10, s14, s28, $0xb8;
	[tilespmem:$0x1C630] =	vst v63  }
0x5b: {  	s8 =	sshrl.u32 @!p2 s8, $0x3;
	s9 =	sxor.u32 $0x2, s4  }
0x5c: {  	s8 =	sadd.s32 @!p2 $0x14, s8;
	s9 =	smul.u32 @!p2 $0x50, s9  }
0x5d: {  	s11 =	sadd.s32 @!p2 $0x5, s30;
	s12 =	sadd.s32 @!p2 s1, s8;
	s13 =	simm.s32 @!p2 $0x0  }
0x5e: {  	[tilespmem:s9], [sflag:s11] =	stream.linear.gather @!p2 [hbm4b:s12+s13], $0x50, $0x38;
	[tilespmem:$0x1C630] =	vst v63  }
0x5f: {  	s8 =	sadd.s32 @!p2 s7, s8;
	s9 =	sadd.s32 @!p2 $0x140, s9  }
0x60: {  	[tilespmem:s9], [sflag:s11] =	stream.linear.gather @!p2 [hbm4b:s8+s13], $0x50, $0x38;
	[tilespmem:$0x1C630] =	vst v63  }
.LBB2_4:
0x61: {  	s8 =	simm.s32 $0x1  }
0x62: {  	s8 =	simm.s32 @!p1 $0x0  }
0x63: {  	s9 =	smul.u32 $0x1400, s8;
	_ =	sdelay $0x1  }
0x64: {  	s9 =	sshrl.u32 s9, $0x2  }
0x65: {  	s9 =	sadd.s32 $0x280, s9  }
0x66: {  	s8 =	smul.u32 $0xB400, s8;
	v2 =	vmov s9;
	_ =	sdelay $0x1  }
0x67: {  	s8 =	sshrl.u32 s8, $0x2  }
0x68: {  	s13 =	sadd.s32 $0xDA0, s8  }
0x69: {  	s9 =	simm.s32 $0x30;
	v4 =	vld [tilespmem:s13+$0xFFFFFF60]  }
0x6a: {  	v3 =	vld.idx.msk [tilespmem:v2+s9+$0xFFFFFFD0 ss:$0x1], $0xffff;
	_ =	sdelay $0x4  }
0x6b: {  	v3 =	vadd.f32 v4, v3;
	_ =	sdelay $0x1  }
0x6c: {  	v4 =	vmul.f32 $9.999999770e-03, v3;
	_ =	sdelay $0x1  }
0x6d: {  	v3 =	vmax.f32 v3, v4  }
0x6e: {  	v3 =	vsub.f32 v3, v1;
	_ =	sdelay $0x1  }
0x6f: {  	v3 =	vmul.f32 $1.442695020e+00, v3;
	_ =	sdelay $0x1  }
0x70: {  	(erf) = vpow2.f32 v3;
	_ =	sdelay $0x6  }
0x71: {  	v4 =	vld [tilespmem:s13+$0xFFFFFF30]  }
0x72: {  	v5 =	vld [tilespmem:s13+$0xFFFFFF40]  }
0x73: {  	v6 =	vld [tilespmem:s13+$0xFFFFFEE0];
	v7 =	vpop (erf)  }
0x74: {  	v3 =	vld [tilespmem:s13+$0xFFFFFF00];
	v9 =	vbroadcast v7, $0x2  }
0x75: {  	v10 =	vld [tilespmem:s13+$0xFFFFFEF0];
	v11 =	vbroadcast v7, $0x3;
	v12 =	vmul.f32 v0, v7  }
0x76: {  	v14 =	vld [tilespmem:s13+$0xFFFFFF10];
	v13 =	vbroadcast v7, $0x0;
	v4 =	vmul.f32 v4, v9  }
0x77: {  	v8 =	vld [tilespmem:s13+$0xFFFFFF50];
	v7 =	vbroadcast v7, $0x1;
	v5 =	vmul.f32 v5, v11;
	[tilespmem:s13+$0xFFFFFF60] =	vst v12  }
0x78: {  	v15 =	vld [tilespmem:s13+$0xFFFFFF20];
	v6 =	vmul.f32 v13, v6;
	[tilespmem:s13+$0xFFFFFF30] =	vst v4  }
0x79: {  	v3 =	vmul.f32 v7, v3;
	[tilespmem:s13+$0xFFFFFF40] =	vst v5  }
0x7a: {  	v4 =	vmul.f32 v13, v10;
	[tilespmem:s13+$0xFFFFFEE0] =	vst v6  }
0x7b: {  	v5 =	vmul.f32 v7, v14;
	[tilespmem:s13+$0xFFFFFF00] =	vst v3  }
0x7c: {  	v3 =	vmul.f32 v8, v11;
	[tilespmem:s13+$0xFFFFFEF0] =	vst v4  }
0x7d: {  	v4 =	vmul.f32 v15, v9;
	[tilespmem:s13+$0xFFFFFF10] =	vst v5  }
0x7e: {  	[tilespmem:s13+$0xFFFFFF50] =	vst v3  }
0x7f: {  	[tilespmem:s13+$0xFFFFFF20] =	vst v4;
	v4 =	vld [tilespmem:s13+$0xFFFFFFF0]  }
0x80: {  	v3 =	vld.idx.msk [tilespmem:v2+s9+$0xFFFFFFE0 ss:$0x1], $0xffff;
	_ =	sdelay $0x4  }
0x81: {  	v3 =	vadd.f32 v4, v3;
	_ =	sdelay $0x1  }
0x82: {  	v4 =	vmul.f32 $9.999999770e-03, v3;
	_ =	sdelay $0x1  }
0x83: {  	v3 =	vmax.f32 v3, v4  }
0x84: {  	v3 =	vsub.f32 v3, v1;
	_ =	sdelay $0x1  }
0x85: {  	v3 =	vmul.f32 $1.442695020e+00, v3;
	_ =	sdelay $0x1  }
0x86: {  	(erf) = vpow2.f32 v3;
	_ =	sdelay $0x6  }
0x87: {  	v4 =	vld [tilespmem:s13+$0xFFFFFF70]  }
0x88: {  	v5 =	vld [tilespmem:s13+$0xFFFFFFD0]  }
0x89: {  	v3 =	vld [tilespmem:s13+$0xFFFFFFC0];
	v45 =	vpop (erf)  }
0x8a: {  	v44 =	vld [tilespmem:s13+$0xFFFFFF90];
	v47 =	vbroadcast v45, $0x0  }
0x8b: {  	v48 =	vld [tilespmem:s13+$0xFFFFFFB0];
	v49 =	vbroadcast v45, $0x3  }
0x8c: {  	v52 =	vld [tilespmem:s13+$0xFFFFFF80];
	v53 =	vbroadcast v45, $0x2;
	v4 =	vmul.f32 v47, v4  }
0x8d: {  	v50 =	vld [tilespmem:s13+$0xFFFFFFE0];
	v51 =	vbroadcast v45, $0x1;
	v5 =	vmul.f32 v5, v49  }
0x8e: {  	v3 =	vmul.f32 v3, v53;
	[tilespmem:s13+$0xFFFFFF70] =	vst v4  }
0x8f: {  	v46 =	vld [tilespmem:s13+$0xFFFFFFA0];
	v4 =	vmul.f32 v51, v44;
	[tilespmem:s13+$0xFFFFFFD0] =	vst v5  }
0x90: {  	v5 =	vmul.f32 v48, v53;
	[tilespmem:s13+$0xFFFFFFC0] =	vst v3  }
0x91: {  	v3 =	vmul.f32 v47, v52;
	[tilespmem:s13+$0xFFFFFF90] =	vst v4  }
0x92: {  	v4 =	vmul.f32 v50, v49;
	[tilespmem:s13+$0xFFFFFFB0] =	vst v5  }
0x93: {  	v5 =	vmul.f32 v0, v45;
	[tilespmem:s13+$0xFFFFFF80] =	vst v3  }
0x94: {  	[tilespmem:s13+$0xFFFFFFE0] =	vst v4;
	v4 =	vmul.f32 v51, v46  }
0x95: {  	[tilespmem:s13+$0xFFFFFFF0] =	vst v5  }
0x96: {  	[tilespmem:s13+$0xFFFFFFA0] =	vst v4;
	v4 =	vld [tilespmem:s13+$0x80]  }
0x97: {  	v3 =	vld.idx.msk [tilespmem:v2+s9+$0xFFFFFFF0 ss:$0x1], $0xffff;
	_ =	sdelay $0x4  }
0x98: {  	v3 =	vadd.f32 v4, v3;
	_ =	sdelay $0x1  }
0x99: {  	v4 =	vmul.f32 $9.999999770e-03, v3;
	_ =	sdelay $0x1  }
0x9a: {  	v3 =	vmax.f32 v3, v4  }
0x9b: {  	v3 =	vsub.f32 v3, v1;
	_ =	sdelay $0x1  }
0x9c: {  	v3 =	vmul.f32 $1.442695020e+00, v3;
	_ =	sdelay $0x1  }
0x9d: {  	(erf) = vpow2.f32 v3;
	_ =	sdelay $0x6  }
0x9e: {  	v3 =	vld [tilespmem:s13+$0x0]  }
0x9f: {  	v4 =	vld [tilespmem:s13+$0x60]  }
0xa0: {  	v5 =	vld [tilespmem:s13+$0x70];
	v54 =	vpop (erf)  }
0xa1: {  	v56 =	vld [tilespmem:s13+$0x10];
	v55 =	vbroadcast v54, $0x0  }
0xa2: {  	v57 =	vld [tilespmem:s13+$0x40];
	v58 =	vbroadcast v54, $0x3;
	v60 =	vmul.f32 v0, v54  }
0xa3: {  	v59 =	vld [tilespmem:s13+$0x50];
	v3 =	vmul.f32 v55, v3  }
0xa4: {  	v61 =	vld [tilespmem:s13+$0x20];
	v4 =	vmul.f32 v4, v58;
	[tilespmem:s13+$0x80] =	vst v60  }
0xa5: {  	v5 =	vmul.f32 v5, v58;
	[tilespmem:s13+$0x0] =	vst v3;
	v3 =	vbroadcast v54, $0x2  }
0xa6: {  	v62 =	vld [tilespmem:s13+$0x30];
	v7 =	vmul.f32 v55, v56;
	[tilespmem:s13+$0x60] =	vst v4  }
0xa7: {  	v4 =	vbroadcast v54, $0x1;
	[tilespmem:s13+$0x70] =	vst v5;
	v63 =	vmul.f32 v57, v3  }
0xa8: {  	s14 =	smul.u32 $0xB400, s30;
	[tilespmem:s13+$0x10] =	vst v7;
	v3 =	vmul.f32 v59, v3  }
0xa9: {  	v5 =	vmul.f32 v4, v61;
	[tilespmem:s13+$0x40] =	vst v63  }
0xaa: {  	s8 =	sshrl.u32 s14, $0x2;
	[tilespmem:s13+$0x50] =	vst v3  }
0xab: {  	s12 =	simm.s32 $0x1C0;
	s11 =	sadd.s32 $0xC80, s8;
	s8 =	smov.u32 s13;
	v3 =	vmul.f32 v4, v62;
	[tilespmem:s13+$0x20] =	vst v5  }
.LBB2_5:
0xac: {  	p2 =	sne.s32 s12, $0x13C0  }
0xad: {  	[tilespmem:s13+$0x30] =	vst v3;
	s8 =	sadd.s32 $0x240, s8;
	s14 =	smov.u32 s12;
	s12 =	sadd.s32 $0x100, s12  }
0xae: {  	v3 =	vld.idx.msk [tilespmem:v2+s9+$0x0 ss:$0x1], $0xffff  }
0xaf: {  	v4 =	vld [tilespmem:s13+$0x110];
	_ =	sdelay $0x4  }
0xb0: {  	v3 =	vadd.f32 v4, v3;
	_ =	sdelay $0x1  }
0xb1: {  	v4 =	vmul.f32 $9.999999770e-03, v3;
	_ =	sdelay $0x1  }
0xb2: {  	v3 =	vmax.f32 v3, v4  }
0xb3: {  	v3 =	vsub.f32 v3, v1;
	_ =	sdelay $0x1  }
0xb4: {  	v3 =	vmul.f32 $1.442695020e+00, v3;
	_ =	sdelay $0x1  }
0xb5: {  	(erf) = vpow2.f32 v3;
	_ =	sdelay $0x3  }
0xb6: {  	v3 =	vld [tilespmem:s13+$0xC0]  }
0xb7: {  	v4 =	vld [tilespmem:s13+$0x100]  }
0xb8: {  	v5 =	vld [tilespmem:s13+$0xE0]  }
0xb9: {  	v6 =	vld [tilespmem:s13+$0x90]  }
0xba: {  	v7 =	vld [tilespmem:s13+$0xD0]  }
0xbb: {  	v8 =	vld [tilespmem:s13+$0xF0];
	v9 =	vpop (erf)  }
0xbc: {  	v10 =	vbroadcast v9, $0x0;
	v11 =	vbroadcast v9, $0x1;
	v12 =	vld [tilespmem:s13+$0xB0]  }
0xbd: {  	v14 =	vbroadcast v9, $0x2;
	v15 =	vmul.f32 v0, v9;
	v13 =	vld [tilespmem:s13+$0xA0]  }
0xbe: {  	v9 =	vbroadcast v9, $0x3;
	v6 =	vmul.f32 v10, v6  }
0xbf: {  	s9 =	sshra.s32 s14, $0x2;
	v5 =	vmul.f32 v5, v14;
	v7 =	vmul.f32 v7, v14;
	[tilespmem:s13+$0x110] =	vst v15  }
0xc0: {  	v4 =	vmul.f32 v4, v9;
	[tilespmem:s13+$0x90] =	vst v6;
	v6 =	vmul.f32 v8, v9  }
0xc1: {  	v3 =	vmul.f32 v11, v3;
	v8 =	vmul.f32 v11, v12;
	[tilespmem:s13+$0xD0] =	vst v7  }
0xc2: {  	v7 =	vmul.f32 v10, v13;
	[tilespmem:s13+$0xE0] =	vst v5  }
0xc3: {  	[tilespmem:s13+$0xF0] =	vst v6  }
0xc4: {  	[tilespmem:s13+$0xB0] =	vst v8  }
0xc5: {  	[tilespmem:s13+$0xC0] =	vst v3  }
0xc6: {  	[tilespmem:s13+$0x100] =	vst v4  }
0xc7: {  	[tilespmem:s13+$0xA0] =	vst v7;
	s13 =	smov.u32 s8  }
0xc8: {  	v3 =	vld.idx.msk [tilespmem:v2+s9+$0xFFFFFFD0 ss:$0x1], $0xffff  }
0xc9: {  	v4 =	vld [tilespmem:s8+$0xFFFFFF60];
	_ =	sdelay $0x4  }
0xca: {  	v3 =	vadd.f32 v4, v3;
	_ =	sdelay $0x1  }
0xcb: {  	v4 =	vmul.f32 $9.999999770e-03, v3;
	_ =	sdelay $0x1  }
0xcc: {  	v3 =	vmax.f32 v3, v4  }
0xcd: {  	v3 =	vsub.f32 v3, v1;
	_ =	sdelay $0x1  }
0xce: {  	v3 =	vmul.f32 $1.442695020e+00, v3;
	_ =	sdelay $0x1  }
0xcf: {  	(erf) = vpow2.f32 v3;
	_ =	sdelay $0x3  }
0xd0: {  	v3 =	vld [tilespmem:s8+$0xFFFFFF00]  }
0xd1: {  	v4 =	vld [tilespmem:s8+$0xFFFFFF20]  }
0xd2: {  	v5 =	vld [tilespmem:s8+$0xFFFFFF40]  }
0xd3: {  	v6 =	vld [tilespmem:s8+$0xFFFFFF30]  }
0xd4: {  	v7 =	vld [tilespmem:s8+$0xFFFFFF50]  }
0xd5: {  	v8 =	vld [tilespmem:s8+$0xFFFFFEE0];
	v9 =	vpop (erf)  }
0xd6: {  	v10 =	vld [tilespmem:s8+$0xFFFFFEF0];
	v11 =	vbroadcast v9, $0x2;
	v12 =	vbroadcast v9, $0x3  }
0xd7: {  	v13 =	vbroadcast v9, $0x0;
	v15 =	vmul.f32 v0, v9;
	v14 =	vld [tilespmem:s8+$0xFFFFFF10]  }
0xd8: {  	v6 =	vmul.f32 v6, v11;
	v5 =	vmul.f32 v5, v12  }
0xd9: {  	v9 =	vbroadcast v9, $0x1;
	v7 =	vmul.f32 v7, v12;
	[tilespmem:s8+$0xFFFFFF60] =	vst v15  }
0xda: {  	v4 =	vmul.f32 v4, v11;
	v8 =	vmul.f32 v13, v8;
	[tilespmem:s8+$0xFFFFFF30] =	vst v6  }
0xdb: {  	v3 =	vmul.f32 v9, v3;
	v6 =	vmul.f32 v13, v10;
	[tilespmem:s8+$0xFFFFFF40] =	vst v5  }
0xdc: {  	[tilespmem:s8+$0xFFFFFEE0] =	vst v8;
	v5 =	vmul.f32 v9, v14  }
0xdd: {  	[tilespmem:s8+$0xFFFFFF00] =	vst v3  }
0xde: {  	[tilespmem:s8+$0xFFFFFEF0] =	vst v6  }
0xdf: {  	[tilespmem:s8+$0xFFFFFF10] =	vst v5  }
0xe0: {  	[tilespmem:s8+$0xFFFFFF50] =	vst v7  }
0xe1: {  	[tilespmem:s8+$0xFFFFFF20] =	vst v4  }
0xe2: {  	v3 =	vld.idx.msk [tilespmem:v2+s9+$0xFFFFFFE0 ss:$0x1], $0xffff  }
0xe3: {  	v4 =	vld [tilespmem:s8+$0xFFFFFFF0];
	_ =	sdelay $0x4  }
0xe4: {  	v3 =	vadd.f32 v4, v3;
	_ =	sdelay $0x1  }
0xe5: {  	v4 =	vmul.f32 $9.999999770e-03, v3;
	_ =	sdelay $0x1  }
0xe6: {  	v3 =	vmax.f32 v3, v4  }
0xe7: {  	v3 =	vsub.f32 v3, v1;
	_ =	sdelay $0x1  }
0xe8: {  	v3 =	vmul.f32 $1.442695020e+00, v3;
	_ =	sdelay $0x1  }
0xe9: {  	(erf) = vpow2.f32 v3;
	_ =	sdelay $0x2  }
0xea: {  	v3 =	vld [tilespmem:s8+$0xFFFFFFC0]  }
0xeb: {  	v4 =	vld [tilespmem:s8+$0xFFFFFFA0]  }
0xec: {  	v5 =	vld [tilespmem:s8+$0xFFFFFFE0]  }
0xed: {  	v6 =	vld [tilespmem:s8+$0xFFFFFF80]  }
0xee: {  	v7 =	vld [tilespmem:s8+$0xFFFFFF70]  }
0xef: {  	v8 =	vld [tilespmem:s8+$0xFFFFFFD0]  }
0xf0: {  	v9 =	vld [tilespmem:s8+$0xFFFFFF90];
	v10 =	vpop (erf)  }
0xf1: {  	v11 =	vbroadcast v10, $0x0;
	v12 =	vbroadcast v10, $0x2;
	v13 =	vld [tilespmem:s8+$0xFFFFFFB0]  }
0xf2: {  	v14 =	vbroadcast v10, $0x1;
	v15 =	vbroadcast v10, $0x3  }
0xf3: {  	v7 =	vmul.f32 v11, v7;
	v6 =	vmul.f32 v11, v6  }
0xf4: {  	v5 =	vmul.f32 v5, v15;
	v8 =	vmul.f32 v8, v15  }
0xf5: {  	v4 =	vmul.f32 v14, v4;
	[tilespmem:s8+$0xFFFFFF70] =	vst v7;
	v7 =	vmul.f32 v14, v9  }
0xf6: {  	v3 =	vmul.f32 v3, v12;
	v9 =	vmul.f32 v13, v12;
	[tilespmem:s8+$0xFFFFFFD0] =	vst v8  }
0xf7: {  	[tilespmem:s8+$0xFFFFFF90] =	vst v7;
	v7 =	vmul.f32 v0, v10  }
0xf8: {  	[tilespmem:s8+$0xFFFFFFC0] =	vst v3  }
0xf9: {  	[tilespmem:s8+$0xFFFFFFB0] =	vst v9  }
0xfa: {  	[tilespmem:s8+$0xFFFFFFE0] =	vst v5  }
0xfb: {  	[tilespmem:s8+$0xFFFFFF80] =	vst v6  }
0xfc: {  	[tilespmem:s8+$0xFFFFFFF0] =	vst v7  }
0xfd: {  	[tilespmem:s8+$0xFFFFFFA0] =	vst v4  }
0xfe: {  	v3 =	vld.idx.msk [tilespmem:v2+s9+$0xFFFFFFF0 ss:$0x1], $0xffff  }
0xff: {  	v4 =	vld [tilespmem:s8+$0x80];
	_ =	sdelay $0x4  }
0x100: {  	v3 =	vadd.f32 v4, v3;
	_ =	sdelay $0x1  }
0x101: {  	v4 =	vmul.f32 $9.999999770e-03, v3;
	_ =	sdelay $0x1  }
0x102: {  	v3 =	vmax.f32 v3, v4  }
0x103: {  	v3 =	vsub.f32 v3, v1;
	_ =	sdelay $0x1  }
0x104: {  	v3 =	vmul.f32 $1.442695020e+00, v3;
	_ =	sdelay $0x1  }
0x105: {  	(erf) = vpow2.f32 v3;
	_ =	sdelay $0x5  }
0x106: {  	v3 =	vld [tilespmem:s8+$0x60]  }
0x107: {  	v4 =	vld [tilespmem:s8+$0x0]  }
0x108: {  	v5 =	vld [tilespmem:s8+$0x70]  }
0x109: {  	v6 =	vpop (erf)  }
0x10a: {  	v7 =	vbroadcast v6, $0x0;
	v8 =	vld [tilespmem:s8+$0x10];
	v9 =	vbroadcast v6, $0x3  }
0x10b: {  	v10 =	vbroadcast v6, $0x2;
	v12 =	vmul.f32 v0, v6;
	v11 =	vld [tilespmem:s8+$0x40]  }
0x10c: {  	v4 =	vmul.f32 v7, v4;
	v13 =	vld [tilespmem:s8+$0x50];
	v3 =	vmul.f32 v3, v9  }
0x10d: {  	v6 =	vbroadcast v6, $0x1;
	v14 =	vld [tilespmem:s8+$0x20];
	v5 =	vmul.f32 v5, v9;
	[tilespmem:s8+$0x80] =	vst v12  }
0x10e: {  	[tilespmem:s8+$0x0] =	vst v4;
	v4 =	vld [tilespmem:s8+$0x30]  }
0x10f: {  	v7 =	vmul.f32 v7, v8;
	[tilespmem:s8+$0x60] =	vst v3  }
.Ltmp1:
0x110: {  	v3 =	vmul.f32 v11, v10;
	[tilespmem:s8+$0x70] =	vst v5;
	(pc) =	sbr.rel @p2 .LBB2_5-.Ltmp1, $4  }
0x111: {  	[tilespmem:s8+$0x10] =	vst v7;
	v5 =	vmul.f32 v13, v10  }
0x112: {  	v7 =	vmul.f32 v6, v14;
	[tilespmem:s8+$0x40] =	vst v3  }
0x113: {  	v3 =	vmul.f32 v6, v4;
	[tilespmem:s8+$0x50] =	vst v5  }
0x114: {  	[tilespmem:s8+$0x20] =	vst v7  }
0x115: {  	_ =	sdelay $0x2  }
0x116: {  	[tilespmem:s13+$0x30] =	vst v3;
	v3 =	vld [tilespmem:s13+$0x110]  }
0x117: {  	v2 =	vld.idx.msk [tilespmem:v2+s9+$0x0 ss:$0x1], $0xffff;
	_ =	sdelay $0x4  }
0x118: {  	v2 =	vadd.f32 v3, v2;
	_ =	sdelay $0x1  }
0x119: {  	v3 =	vmul.f32 $9.999999770e-03, v2;
	_ =	sdelay $0x1  }
0x11a: {  	v2 =	vmax.f32 v2, v3  }
0x11b: {  	v2 =	vsub.f32 v2, v1;
	_ =	sdelay $0x1  }
0x11c: {  	v2 =	vmul.f32 $1.442695020e+00, v2;
	_ =	sdelay $0x1  }
0x11d: {  	(erf) = vpow2.f32 v2;
	_ =	sdelay $0x6  }
0x11e: {  	v3 =	vld [tilespmem:s13+$0x90]  }
0x11f: {  	v4 =	vld [tilespmem:s13+$0xD0]  }
0x120: {  	v5 =	vld [tilespmem:s13+$0xE0];
	v6 =	vpop (erf)  }
0x121: {  	v9 =	vld [tilespmem:s13+$0xB0];
	v8 =	vbroadcast v6, $0x0  }
0x122: {  	v2 =	vld [tilespmem:s13+$0xC0];
	v10 =	vbroadcast v6, $0x2;
	v11 =	vmul.f32 v0, v6  }
0x123: {  	v7 =	vld [tilespmem:s13+$0xF0];
	v14 =	vbroadcast v6, $0x3;
	v3 =	vmul.f32 v8, v3  }
0x124: {  	v13 =	vld [tilespmem:s13+$0xA0];
	v6 =	vbroadcast v6, $0x1;
	v4 =	vmul.f32 v4, v10;
	[tilespmem:s13+$0x110] =	vst v11  }
0x125: {  	v12 =	vld [tilespmem:s13+$0x100];
	v5 =	vmul.f32 v5, v10;
	[tilespmem:s13+$0x90] =	vst v3  }
0x126: {  	v62 =	vmul.f32 v6, v9;
	[tilespmem:s13+$0xD0] =	vst v4  }
0x127: {  	v2 =	vmul.f32 v6, v2;
	[tilespmem:s13+$0xE0] =	vst v5  }
0x128: {  	v3 =	vmul.f32 v7, v14;
	[tilespmem:s13+$0xB0] =	vst v62  }
0x129: {  	s4 =	smul.u32 $0x140, s4;
	p2 =	sne.s32 s31, $0x7D;
	v63 =	vmul.f32 v8, v13;
	[tilespmem:s13+$0xC0] =	vst v2  }
.Ltmp2:
0x12a: {  	[tilespmem:s13+$0xF0] =	vst v3;
	v3 =	vmul.f32 v12, v14;
	(pc) =	sbr.rel @p2 .LBB2_2-.Ltmp2, $4  }
0x12b: {  	s4 =	sshrl.u32 s4, $0x2;
	[tilespmem:s13+$0xA0] =	vst v63  }
0x12c: {  	s8 =	sadd.s32 $0x3, s30;
	s4 =	sadd.s32 $0x140, s4;
	[tilespmem:s13+$0x100] =	vst v3  }
0x12d: {  	[spmem:s2] =	stream.indirect.scatter.add.f32 [tilespmem:s11], [sflag:s8], $0x90, s4, s28, $0xb8;
	[tilespmem:$0x1C630] =	vst v63  }
0x12e: {  	p1 =	por !p1, !p1;
	s8 =	smov.u32 s31  }
0x12f: {  	_ =	swait.ge [sflag:s0], $0x2D00  }
0x130: {  	[sflag:s0] =	ssyncset.done $0x0  }
0x131: {  	[sflag:s0] =	ssyncadd.s32 $0xFFFFD300  }
0x132: {  	s4 =	simm.s32 @p0 $0x1FC7;
	[bflag:$0x0] =	sbarrier.arrive $0xFFFF  }
0x133: {  	[hbm:s19], [sflag:s4] =	dma.local @p0 [spmem:s23], $0x2490  }
0x134: {  	s4 =	simm.s32 @p0 $0x7  }
0x135: {  	s21 =	sadd.s32 $0x1, s21;
	_ =	swait.ge @p0 [sflag:s4], $0x2490  }
0x136: {  	p1 =	sne.s32 s21, s20;
	[sflag:s4] =	ssyncset.done @p0 $0x0  }
.Ltmp3:
0x137: {  	[sflag:s4] =	ssyncadd.s32 @p0 $0xFFFFDB70;
	s4 =	simm.s32 @!p0 $0x7;
	(pc) =	sbr.rel @p1 .LBB2_1-.Ltmp3, $4  }
0x138: {  	[hbm:s18], [sflag:s29] =	dma.local @!p0 [spmem:s25], $0x2C70  }
0x139: {  	_ =	swait.ge @!p0 [sflag:s4], $0x2C70  }
0x13a: {  	[sflag:s4] =	ssyncset.done @!p0 $0x0  }
0x13b: {  	[sflag:s4] =	ssyncadd.s32 @!p0 $0xFFFFD390  }
0x13c: {  	_ =	sfence.sel $0x180000  }
0x13d: {  	[bflag:$0x0] =	sbarrier.arrive $0xFFFF  }
0x13e: {  	_ =	strace $0x90000047  }
0x13f: {  	s0 =	stileid.u32;
	[bflag:$0x2] =	sbarrier.arrive $0xFFFF  }
0x140: {  	p0 =	sne.s32 s0, $0x0;
	s0 =	rddreg [dreg:$0x3]  }
0x141: {  	s0 =	sadd.s32 @!p0 $0x100000, s0  }
0x142: {  	[sflag:s0] =	ssyncadd.tile.s32 @!p0 $0x1;
	_ =	shalt  }
.Lfunc_end2:
_tile_overlayer_lowered:
.L_overlay_start_2:
0x143: {  	(tag) =	ssettag $0x2  }
0x144: {  	s0 =	rddreg [dreg:$0x0];
	s2 =	stileid.u32  }
0x145: {  	s1 =	rddreg [dreg:$0x1];
	p0 =	sne.s32 s2, $0x0  }
0x146: {  	s3 =	rddreg [dreg:$0x2];
	[bflag:$0x3] =	sbarrier.arrive $0xFFFF;
	s2 =	simm.s32 @!p0 $0x1C07  }
0x147: {  	[timem:s3], [sflag:s2] =	dma.local @!p0 [hbm:s0], s1  }
0x148: {  	s0 =	simm.s32 @!p0 $0x7  }
0x149: {  	_ =	swait.ge @!p0 [sflag:s0], s1  }
0x14a: {  	s1 =	ssub.s32 @!p0 $0x0, s1;
	[sflag:s0] =	ssyncset.done @!p0 $0x0  }
0x14b: {  	[sflag:s0] =	ssyncadd.s32 @!p0 s1  }
0x14c: {  	[bflag:$0x3] =	sbarrier.arrive $0xFFFF  }
0x14d: {  	_ =	shalt  }

</sc_bundles>
